<compile_context>
chip_gen: v7x
topology: tpu7x:2x2x1
jax: 0.10.2.dev20260603
libtpu: 0.0.44.dev20260713+nightly
codegen_flags: <defaults>
</compile_context>

<pallas_src>
import functools

import jax
import jax.numpy as jnp
from jax import lax
from jax.experimental import pallas as pl
from jax.experimental.pallas import tpu as pltpu
from jax.experimental.pallas import tpu_sc as plsc

_B = 4096
_M = 10
_N = 1000
_NC = 2
_NS = 16
_NW = _NC * _NS
_L = 16
_BPW = _B // _NW
_NCH = _BPW // _L
_CH = 128
_NCK = _B // _CH
_K = 6


def _tables_body(p1ab_ref, p2ab_ref, p1ba_ref, p2ba_ref, cn_ref, nrm_ref):
    for k, (p1, p2) in enumerate(((p1ab_ref, p2ab_ref), (p1ba_ref, p2ba_ref))):
        t = p2[:, :]
        m = jnp.max(t, axis=0)
        s = jnp.sum(jnp.exp(t - m[None, :]), axis=0)
        cn_ref[k, :] = jnp.log(s) + m
        v = p1[:]
        mv = jnp.max(v)
        nrm_ref[k] = jnp.log(jnp.sum(jnp.exp(v - mv))) + mv


def _argmax_body(s_hbm, oa_ref, ob_ref, buf, sems):
    i = pl.program_id(0)

    def _copy(chunk, slot, row):
        return pltpu.make_async_copy(
            s_hbm.at[pl.ds(chunk * _CH, _CH), row, :],
            buf.at[slot, row],
            sems.at[slot, row])

    @pl.when(i == 0)
    def _warmup():
        for c in range(_K):
            for r in range(2):
                _copy(c, c, r).start()

    slot = lax.rem(i, _K)
    for r in range(2):
        _copy(i, slot, r).wait()
    oa_ref[pl.ds(i * _CH, _CH)] = jnp.argmax(buf[slot, 0], axis=-1).astype(jnp.int32)
    ob_ref[pl.ds(i * _CH, _CH)] = jnp.argmax(buf[slot, 1], axis=-1).astype(jnp.int32)

    nxt = i + _K

    @pl.when(nxt < _NCK)
    def _refill():
        for r in range(2):
            _copy(nxt, slot, r).start()


def _sc_body(idxa_hbm, idxb_hbm, p1ab_hbm, cnab_hbm, p1ba_hbm, cnba_hbm,
             p2ab_hbm, p2ba_hbm, out_hbm,
             idx_a, idx_b, fidx, gv, g1, g2, out_v, sem0, sem1):
    wid = lax.axis_index("s") * _NC + lax.axis_index("c")
    base = wid * _BPW

    ha = pltpu.async_copy(idxa_hbm.at[pl.ds(base, _BPW)], idx_a, sem0)
    hb = pltpu.async_copy(idxb_hbm.at[pl.ds(base, _BPW)], idx_b, sem1)
    ha.wait()
    hb.wait()

    for model, (idx1, p1_hbm, cn_hbm, p2_hbm) in enumerate((
            (idx_a, p1ab_hbm, cnab_hbm, p2ab_hbm),
            (idx_b, p1ba_hbm, cnba_hbm, p2ba_hbm))):
        for c in range(_NCH):
            va = idx_a[pl.ds(c * _L, _L)]
            vb = idx_b[pl.ds(c * _L, _L)]
            f = vb * _N + va if model == 0 else va * _N + vb
            fidx[pl.ds(c * _L, _L)] = f
        h2 = pltpu.async_copy(p2_hbm.at[fidx], gv, sem0)
        hp = pltpu.async_copy(p1_hbm.at[idx1], g1, sem0)
        hc = pltpu.async_copy(cn_hbm.at[idx1], g2, sem0)
        h2.wait()
        hp.wait()
        hc.wait()
        acc = jnp.zeros((_L,), jnp.float32)
        for c in range(_NCH):
            s = pl.ds(c * _L, _L)
            acc = acc + gv[s] + g1[s] - g2[s]
        out_v[model, :] = acc

    pltpu.sync_copy(out_v, out_hbm.at[wid])


@functools.cache
def _make_sc_kernel():
    mesh = plsc.VectorSubcoreMesh(core_axis_name="c", subcore_axis_name="s",
                                  num_cores=_NC, num_subcores=_NS)
    return pl.kernel(
        _sc_body,
        mesh=mesh,
        compiler_params=pltpu.CompilerParams(needs_layout_passes=False),
        out_type=jax.ShapeDtypeStruct((_NW, 2, _L), jnp.float32),
        scratch_types=[
            pltpu.VMEM((_BPW,), jnp.int32),
            pltpu.VMEM((_BPW,), jnp.int32),
            pltpu.VMEM((_BPW,), jnp.int32),
            pltpu.VMEM((_BPW,), jnp.float32),
            pltpu.VMEM((_BPW,), jnp.float32),
            pltpu.VMEM((_BPW,), jnp.float32),
            pltpu.VMEM((2, _L), jnp.float32),
            pltpu.SemaphoreType.DMA,
            pltpu.SemaphoreType.DMA,
        ],
    )


def kernel(samples, P_1_AB, P_2_1_AB, P_1_BA, P_2_1_BA, gamma):
    B, M, N = samples.shape

    cn, nrm = pl.pallas_call(
        _tables_body,
        in_specs=[
            pl.BlockSpec((N,), lambda: (0,)),
            pl.BlockSpec((N, N), lambda: (0, 0)),
            pl.BlockSpec((N,), lambda: (0,)),
            pl.BlockSpec((N, N), lambda: (0, 0)),
        ],
        out_specs=[
            pl.BlockSpec((2, N), lambda: (0, 0)),
            pl.BlockSpec(memory_space=pltpu.SMEM),
        ],
        out_shape=[
            jax.ShapeDtypeStruct((2, N), jnp.float32),
            jax.ShapeDtypeStruct((2,), jnp.float32),
        ],
    )(P_1_AB, P_2_1_AB, P_1_BA, P_2_1_BA)

    idx_a, idx_b = pl.pallas_call(
        _argmax_body,
        grid=(_NCK,),
        in_specs=[pl.BlockSpec(memory_space=pl.ANY)],
        out_specs=[
            pl.BlockSpec((B,), lambda i: (0,)),
            pl.BlockSpec((B,), lambda i: (0,)),
        ],
        out_shape=[
            jax.ShapeDtypeStruct((B,), jnp.int32),
            jax.ShapeDtypeStruct((B,), jnp.int32),
        ],
        scratch_shapes=[
            pltpu.VMEM((_K, 2, _CH, N), jnp.float32),
            pltpu.SemaphoreType.DMA((_K, 2)),
        ],
    )(samples)

    partials = _make_sc_kernel()(
        idx_a, idx_b, P_1_AB, cn[0], P_1_BA, cn[1],
        P_2_1_AB.reshape(-1), P_2_1_BA.reshape(-1))
    sums = jnp.sum(partials, axis=(0, 2))

    log_w = gamma - jax.scipy.special.logsumexp(gamma)
    m_ab = log_w[0] + sums[0] - B * nrm[0]
    m_ba = log_w[1] + sums[1] - B * nrm[1]
    return jnp.logaddexp(m_ab, m_ba)

# --- scband reference (transcript-rebuilt; emitter-appended) ---
"""Pipeline reference for scband-binary-subset-structural-model-11433202942345 (READ-ONLY COPY).

The authoritative reference and input builder live on the scoring server;
editing this copy changes nothing except your own understanding.
"""

import jax, jax.numpy as jnp
import numpy as np

N = 1000
M = 10
A_IND = 0
B_IND = 1
BATCH = 4096


def setup_inputs(seed: int = 0) -> dict:
    key = jax.random.key(seed)
    k1, k2, k3, k4, k5, k6 = jax.random.split(key, 6)
    samples = jax.random.normal(k1, (BATCH, M, N), dtype=jnp.float32)
    P_1_AB = jax.random.normal(k2, (N,), dtype=jnp.float32) * 0.1
    P_2_1_AB = jax.random.normal(k3, (N, N), dtype=jnp.float32) * 0.1
    P_1_BA = jax.random.normal(k4, (N,), dtype=jnp.float32) * 0.1
    P_2_1_BA = jax.random.normal(k5, (N, N), dtype=jnp.float32) * 0.1
    gamma = jax.random.normal(k6, (2,), dtype=jnp.float32) * 0.1
    return {"samples": samples, "P_1_AB": P_1_AB, "P_2_1_AB": P_2_1_AB, "P_1_BA": P_1_BA, "P_2_1_BA": P_2_1_BA, "gamma": gamma}


def _cause_loglik(samples, P_1, P_2_1, node_1, node_2):
    node_1_vals = jnp.argmax(samples[:, node_1, :], axis=-1)
    node_2_vals = jnp.argmax(samples[:, node_2, :], axis=-1)
    normalizer = jax.scipy.special.logsumexp(P_1, axis=0)
    marginal = P_1[node_1_vals] - normalizer
    cond_normalizer = jax.scipy.special.logsumexp(P_2_1, axis=0)
    conditional = P_2_1[node_2_vals, node_1_vals] - cond_normalizer[node_1_vals]
    return marginal + conditional


def reference(samples, P_1_AB, P_2_1_AB, P_1_BA, P_2_1_BA, gamma):
    log_model_weights = gamma - jax.scipy.special.logsumexp(gamma, axis=0)
    model_A_B_logL = log_model_weights[0] + jnp.sum(_cause_loglik(samples, P_1_AB, P_2_1_AB, A_IND, B_IND))
    model_B_A_logL = log_model_weights[1] + jnp.sum(_cause_loglik(samples, P_1_BA, P_2_1_BA, B_IND, A_IND))
    shared_logL = jnp.maximum(model_A_B_logL, model_B_A_logL)
    remaining_A_B = model_A_B_logL - shared_logL
    remaining_B_A = model_B_A_logL - shared_logL
    return shared_logL + jnp.log(jnp.exp(remaining_A_B) + jnp.exp(remaining_B_A))

if __name__ == "__main__":
    import jax
    _d = setup_inputs()
    print(jax.jit(kernel)(*tuple(_d.values())))

</pallas_src>

<mosaic_0001>
#map = affine_map<(d0, d1) -> (0)>
#map1 = affine_map<(d0, d1) -> (0, 0, 0)>
module attributes {stable_mosaic.version = 14 : i64} {
  func.func @_sc_body(%arg0: i32, %arg1: i32, %arg2: memref<4096xi32, #tpu.memory_space<hbm>>, %arg3: memref<4096xi32, #tpu.memory_space<hbm>>, %arg4: memref<1000xf32, #tpu.memory_space<hbm>>, %arg5: memref<1000xf32, #tpu.memory_space<hbm>>, %arg6: memref<1000xf32, #tpu.memory_space<hbm>>, %arg7: memref<1000xf32, #tpu.memory_space<hbm>>, %arg8: memref<1000000xf32, #tpu.memory_space<hbm>>, %arg9: memref<1000000xf32, #tpu.memory_space<hbm>>, %arg10: memref<32x2x16xf32, #tpu.memory_space<hbm>>, %arg11: memref<128xi32, #tpu.memory_space<vmem>>, %arg12: memref<128xi32, #tpu.memory_space<vmem>>, %arg13: memref<128xi32, #tpu.memory_space<vmem>>, %arg14: memref<128xf32, #tpu.memory_space<vmem>>, %arg15: memref<128xf32, #tpu.memory_space<vmem>>, %arg16: memref<128xf32, #tpu.memory_space<vmem>>, %arg17: memref<2x16xf32, #tpu.memory_space<vmem>>, %arg18: memref<!tpu.dma_semaphore, #tpu.memory_space<semaphore_mem>>, %arg19: memref<!tpu.dma_semaphore, #tpu.memory_space<semaphore_mem>>) attributes {dimension_semantics = [#tpu.dimension_semantics<core_parallel>, #tpu.dimension_semantics<subcore_parallel>], iteration_bounds = array<i64: 2, 16>, scalar_prefetch = 0 : i64, scratch_operands = 9 : i64, tpu.core_type = #tpu.core_type<sc_vector_subcore>, window_params = [{transform_indices = #map}, {transform_indices = #map}, {transform_indices = #map}, {transform_indices = #map}, {transform_indices = #map}, {transform_indices = #map}, {transform_indices = #map}, {transform_indices = #map}, {transform_indices = #map1}]} {
    %mul3A = arith.constant 2 : i32
    %mul3A_0 = arith.muli %arg1, %mul3A : i32
    %add3A = arith.addi %mul3A_0, %arg0 : i32
    %mul3A_1 = arith.constant 128 : i32
    %mul3A_2 = arith.muli %add3A, %mul3A_1 : i32
    %dma_start3A = tpu.memref_slice %arg2[%mul3A_2] : memref<4096xi32, #tpu.memory_space<hbm>> -> memref<128xi32, #tpu.memory_space<hbm>>
    %dma_start3A_3 = tpu.memref_slice %arg2[%mul3A_2] : memref<4096xi32, #tpu.memory_space<hbm>> -> memref<128xi32, #tpu.memory_space<hbm>>
    tpu.enqueue_dma source(%dma_start3A_3 : memref<128xi32, #tpu.memory_space<hbm>>) target(%arg11 : memref<128xi32, #tpu.memory_space<vmem>>) target_semaphore(%arg18 : memref<!tpu.dma_semaphore, #tpu.memory_space<semaphore_mem>>)
    %dma_start3A_4 = tpu.memref_slice %arg3[%mul3A_2] : memref<4096xi32, #tpu.memory_space<hbm>> -> memref<128xi32, #tpu.memory_space<hbm>>
    %dma_start3A_5 = tpu.memref_slice %arg3[%mul3A_2] : memref<4096xi32, #tpu.memory_space<hbm>> -> memref<128xi32, #tpu.memory_space<hbm>>
    tpu.enqueue_dma source(%dma_start3A_5 : memref<128xi32, #tpu.memory_space<hbm>>) target(%arg12 : memref<128xi32, #tpu.memory_space<vmem>>) target_semaphore(%arg19 : memref<!tpu.dma_semaphore, #tpu.memory_space<semaphore_mem>>)
    %dma_wait3A = tpu.memref_slice %arg2[%mul3A_2] : memref<4096xi32, #tpu.memory_space<hbm>> -> memref<128xi32, #tpu.memory_space<hbm>>
    %dma_wait3A_6 = tpu.memref_slice %arg2[%mul3A_2] : memref<4096xi32, #tpu.memory_space<hbm>> -> memref<128xi32, #tpu.memory_space<hbm>>
    tpu.wait_dma2 semaphore(%arg18 : memref<!tpu.dma_semaphore, #tpu.memory_space<semaphore_mem>>) src(%dma_wait3A_6 : memref<128xi32, #tpu.memory_space<hbm>>) dst(%arg11 : memref<128xi32, #tpu.memory_space<vmem>>)
    %dma_wait3A_7 = tpu.memref_slice %arg3[%mul3A_2] : memref<4096xi32, #tpu.memory_space<hbm>> -> memref<128xi32, #tpu.memory_space<hbm>>
    %dma_wait3A_8 = tpu.memref_slice %arg3[%mul3A_2] : memref<4096xi32, #tpu.memory_space<hbm>> -> memref<128xi32, #tpu.memory_space<hbm>>
    tpu.wait_dma2 semaphore(%arg19 : memref<!tpu.dma_semaphore, #tpu.memory_space<semaphore_mem>>) src(%dma_wait3A_8 : memref<128xi32, #tpu.memory_space<hbm>>) dst(%arg12 : memref<128xi32, #tpu.memory_space<vmem>>)
    %get3A = arith.constant 0 : index
    %get3A_9 = tpu.vector_load %arg11[%get3A] {strides = array<i32>} : memref<128xi32, #tpu.memory_space<vmem>>, vector<16xi32>,
    %get3A_10 = arith.constant 0 : index
    %get3A_11 = tpu.vector_load %arg12[%get3A_10] {strides = array<i32>} : memref<128xi32, #tpu.memory_space<vmem>>, vector<16xi32>,
    %mul3A_12 = arith.constant 1000 : i32
    %mul3A_13 = vector.broadcast %mul3A_12 : i32 to vector<16xi32>
    %mul3A_14 = arith.muli %get3A_11, %mul3A_13 : vector<16xi32>
    %add3A_15 = arith.addi %mul3A_14, %get3A_9 : vector<16xi32>
    %swap3A = arith.constant 0 : index
    %swap3A_16 = tpu.vector_load %arg13[%swap3A] {strides = array<i32>} : memref<128xi32, #tpu.memory_space<vmem>>, vector<16xi32>,
    tpu.vector_store %arg13[%swap3A], %add3A_15 {strides = array<i32>} : memref<128xi32, #tpu.memory_space<vmem>>, vector<16xi32>,
    %get3A_17 = arith.constant 16 : index
    %get3A_18 = tpu.vector_load %arg11[%get3A_17] {strides = array<i32>} : memref<128xi32, #tpu.memory_space<vmem>>, vector<16xi32>,
    %get3A_19 = arith.constant 16 : index
    %get3A_20 = tpu.vector_load %arg12[%get3A_19] {strides = array<i32>} : memref<128xi32, #tpu.memory_space<vmem>>, vector<16xi32>,
    %mul3A_21 = arith.constant 1000 : i32
    %mul3A_22 = vector.broadcast %mul3A_21 : i32 to vector<16xi32>
    %mul3A_23 = arith.muli %get3A_20, %mul3A_22 : vector<16xi32>
    %add3A_24 = arith.addi %mul3A_23, %get3A_18 : vector<16xi32>
    %swap3A_25 = arith.constant 16 : index
    %swap3A_26 = tpu.vector_load %arg13[%swap3A_25] {strides = array<i32>} : memref<128xi32, #tpu.memory_space<vmem>>, vector<16xi32>,
    tpu.vector_store %arg13[%swap3A_25], %add3A_24 {strides = array<i32>} : memref<128xi32, #tpu.memory_space<vmem>>, vector<16xi32>,
    %get3A_27 = arith.constant 32 : index
    %get3A_28 = tpu.vector_load %arg11[%get3A_27] {strides = array<i32>} : memref<128xi32, #tpu.memory_space<vmem>>, vector<16xi32>,
    %get3A_29 = arith.constant 32 : index
    %get3A_30 = tpu.vector_load %arg12[%get3A_29] {strides = array<i32>} : memref<128xi32, #tpu.memory_space<vmem>>, vector<16xi32>,
    %mul3A_31 = arith.constant 1000 : i32
    %mul3A_32 = vector.broadcast %mul3A_31 : i32 to vector<16xi32>
    %mul3A_33 = arith.muli %get3A_30, %mul3A_32 : vector<16xi32>
    %add3A_34 = arith.addi %mul3A_33, %get3A_28 : vector<16xi32>
    %swap3A_35 = arith.constant 32 : index
    %swap3A_36 = tpu.vector_load %arg13[%swap3A_35] {strides = array<i32>} : memref<128xi32, #tpu.memory_space<vmem>>, vector<16xi32>,
    tpu.vector_store %arg13[%swap3A_35], %add3A_34 {strides = array<i32>} : memref<128xi32, #tpu.memory_space<vmem>>, vector<16xi32>,
    %get3A_37 = arith.constant 48 : index
    %get3A_38 = tpu.vector_load %arg11[%get3A_37] {strides = array<i32>} : memref<128xi32, #tpu.memory_space<vmem>>, vector<16xi32>,
    %get3A_39 = arith.constant 48 : index
    %get3A_40 = tpu.vector_load %arg12[%get3A_39] {strides = array<i32>} : memref<128xi32, #tpu.memory_space<vmem>>, vector<16xi32>,
    %mul3A_41 = arith.constant 1000 : i32
    %mul3A_42 = vector.broadcast %mul3A_41 : i32 to vector<16xi32>
    %mul3A_43 = arith.muli %get3A_40, %mul3A_42 : vector<16xi32>
    %add3A_44 = arith.addi %mul3A_43, %get3A_38 : vector<16xi32>
    %swap3A_45 = arith.constant 48 : index
    %swap3A_46 = tpu.vector_load %arg13[%swap3A_45] {strides = array<i32>} : memref<128xi32, #tpu.memory_space<vmem>>, vector<16xi32>,
    tpu.vector_store %arg13[%swap3A_45], %add3A_44 {strides = array<i32>} : memref<128xi32, #tpu.memory_space<vmem>>, vector<16xi32>,
    %get3A_47 = arith.constant 64 : index
    %get3A_48 = tpu.vector_load %arg11[%get3A_47] {strides = array<i32>} : memref<128xi32, #tpu.memory_space<vmem>>, vector<16xi32>,
    %get3A_49 = arith.constant 64 : index
    %get3A_50 = tpu.vector_load %arg12[%get3A_49] {strides = array<i32>} : memref<128xi32, #tpu.memory_space<vmem>>, vector<16xi32>,
    %mul3A_51 = arith.constant 1000 : i32
    %mul3A_52 = vector.broadcast %mul3A_51 : i32 to vector<16xi32>
    %mul3A_53 = arith.muli %get3A_50, %mul3A_52 : vector<16xi32>
    %add3A_54 = arith.addi %mul3A_53, %get3A_48 : vector<16xi32>
    %swap3A_55 = arith.constant 64 : index
    %swap3A_56 = tpu.vector_load %arg13[%swap3A_55] {strides = array<i32>} : memref<128xi32, #tpu.memory_space<vmem>>, vector<16xi32>,
    tpu.vector_store %arg13[%swap3A_55], %add3A_54 {strides = array<i32>} : memref<128xi32, #tpu.memory_space<vmem>>, vector<16xi32>,
    %get3A_57 = arith.constant 80 : index
    %get3A_58 = tpu.vector_load %arg11[%get3A_57] {strides = array<i32>} : memref<128xi32, #tpu.memory_space<vmem>>, vector<16xi32>,
    %get3A_59 = arith.constant 80 : index
    %get3A_60 = tpu.vector_load %arg12[%get3A_59] {strides = array<i32>} : memref<128xi32, #tpu.memory_space<vmem>>, vector<16xi32>,
    %mul3A_61 = arith.constant 1000 : i32
    %mul3A_62 = vector.broadcast %mul3A_61 : i32 to vector<16xi32>
    %mul3A_63 = arith.muli %get3A_60, %mul3A_62 : vector<16xi32>
    %add3A_64 = arith.addi %mul3A_63, %get3A_58 : vector<16xi32>
    %swap3A_65 = arith.constant 80 : index
    %swap3A_66 = tpu.vector_load %arg13[%swap3A_65] {strides = array<i32>} : memref<128xi32, #tpu.memory_space<vmem>>, vector<16xi32>,
    tpu.vector_store %arg13[%swap3A_65], %add3A_64 {strides = array<i32>} : memref<128xi32, #tpu.memory_space<vmem>>, vector<16xi32>,
    %get3A_67 = arith.constant 96 : index
    %get3A_68 = tpu.vector_load %arg11[%get3A_67] {strides = array<i32>} : memref<128xi32, #tpu.memory_space<vmem>>, vector<16xi32>,
    %get3A_69 = arith.constant 96 : index
    %get3A_70 = tpu.vector_load %arg12[%get3A_69] {strides = array<i32>} : memref<128xi32, #tpu.memory_space<vmem>>, vector<16xi32>,
    %mul3A_71 = arith.constant 1000 : i32
    %mul3A_72 = vector.broadcast %mul3A_71 : i32 to vector<16xi32>
    %mul3A_73 = arith.muli %get3A_70, %mul3A_72 : vector<16xi32>
    %add3A_74 = arith.addi %mul3A_73, %get3A_68 : vector<16xi32>
    %swap3A_75 = arith.constant 96 : index
    %swap3A_76 = tpu.vector_load %arg13[%swap3A_75] {strides = array<i32>} : memref<128xi32, #tpu.memory_space<vmem>>, vector<16xi32>,
    tpu.vector_store %arg13[%swap3A_75], %add3A_74 {strides = array<i32>} : memref<128xi32, #tpu.memory_space<vmem>>, vector<16xi32>,
    %get3A_77 = arith.constant 112 : index
    %get3A_78 = tpu.vector_load %arg11[%get3A_77] {strides = array<i32>} : memref<128xi32, #tpu.memory_space<vmem>>, vector<16xi32>,
    %get3A_79 = arith.constant 112 : index
    %get3A_80 = tpu.vector_load %arg12[%get3A_79] {strides = array<i32>} : memref<128xi32, #tpu.memory_space<vmem>>, vector<16xi32>,
    %mul3A_81 = arith.constant 1000 : i32
    %mul3A_82 = vector.broadcast %mul3A_81 : i32 to vector<16xi32>
    %mul3A_83 = arith.muli %get3A_80, %mul3A_82 : vector<16xi32>
    %add3A_84 = arith.addi %mul3A_83, %get3A_78 : vector<16xi32>
    %swap3A_85 = arith.constant 112 : index
    %swap3A_86 = tpu.vector_load %arg13[%swap3A_85] {strides = array<i32>} : memref<128xi32, #tpu.memory_space<vmem>>, vector<16xi32>,
    tpu.vector_store %arg13[%swap3A_85], %add3A_84 {strides = array<i32>} : memref<128xi32, #tpu.memory_space<vmem>>, vector<16xi32>,
    %dma_start3A_87 = arith.constant 0 : i32
    %dma_start3A_88 = tpu.memref_slice %arg8[%dma_start3A_87] : memref<1000000xf32, #tpu.memory_space<hbm>> -> memref<1000000xf32, #tpu.memory_space<hbm>>
    tpu.enqueue_indirect_dma source(%dma_start3A_88 : memref<1000000xf32, #tpu.memory_space<hbm>>) target(%arg14 : memref<128xf32, #tpu.memory_space<vmem>>) offsets(%arg13 : memref<128xi32, #tpu.memory_space<vmem>>) semaphore(%arg18 : memref<!tpu.dma_semaphore, #tpu.memory_space<semaphore_mem>>)
    %dma_start3A_89 = arith.constant 0 : i32
    %dma_start3A_90 = tpu.memref_slice %arg4[%dma_start3A_89] : memref<1000xf32, #tpu.memory_space<hbm>> -> memref<1000xf32, #tpu.memory_space<hbm>>
    tpu.enqueue_indirect_dma source(%dma_start3A_90 : memref<1000xf32, #tpu.memory_space<hbm>>) target(%arg15 : memref<128xf32, #tpu.memory_space<vmem>>) offsets(%arg11 : memref<128xi32, #tpu.memory_space<vmem>>) semaphore(%arg18 : memref<!tpu.dma_semaphore, #tpu.memory_space<semaphore_mem>>)
    %dma_start3A_91 = arith.constant 0 : i32
    %dma_start3A_92 = tpu.memref_slice %arg5[%dma_start3A_91] : memref<1000xf32, #tpu.memory_space<hbm>> -> memref<1000xf32, #tpu.memory_space<hbm>>
    tpu.enqueue_indirect_dma source(%dma_start3A_92 : memref<1000xf32, #tpu.memory_space<hbm>>) target(%arg16 : memref<128xf32, #tpu.memory_space<vmem>>) offsets(%arg11 : memref<128xi32, #tpu.memory_space<vmem>>) semaphore(%arg18 : memref<!tpu.dma_semaphore, #tpu.memory_space<semaphore_mem>>)
    %dma_wait3A_93 = arith.constant 0 : i32
    %dma_wait3A_94 = tpu.memref_slice %arg8[%dma_wait3A_93] : memref<1000000xf32, #tpu.memory_space<hbm>> -> memref<1000000xf32, #tpu.memory_space<hbm>>
    tpu.wait_indirect_dma semaphore(%arg18 : memref<!tpu.dma_semaphore, #tpu.memory_space<semaphore_mem>>) src(%dma_wait3A_94 : memref<1000000xf32, #tpu.memory_space<hbm>>) dst(%arg14 : memref<128xf32, #tpu.memory_space<vmem>>)
    %dma_wait3A_95 = arith.constant 0 : i32
    %dma_wait3A_96 = tpu.memref_slice %arg4[%dma_wait3A_95] : memref<1000xf32, #tpu.memory_space<hbm>> -> memref<1000xf32, #tpu.memory_space<hbm>>
    tpu.wait_indirect_dma semaphore(%arg18 : memref<!tpu.dma_semaphore, #tpu.memory_space<semaphore_mem>>) src(%dma_wait3A_96 : memref<1000xf32, #tpu.memory_space<hbm>>) dst(%arg15 : memref<128xf32, #tpu.memory_space<vmem>>)
    %dma_wait3A_97 = arith.constant 0 : i32
    %dma_wait3A_98 = tpu.memref_slice %arg5[%dma_wait3A_97] : memref<1000xf32, #tpu.memory_space<hbm>> -> memref<1000xf32, #tpu.memory_space<hbm>>
    tpu.wait_indirect_dma semaphore(%arg18 : memref<!tpu.dma_semaphore, #tpu.memory_space<semaphore_mem>>) src(%dma_wait3A_98 : memref<1000xf32, #tpu.memory_space<hbm>>) dst(%arg16 : memref<128xf32, #tpu.memory_space<vmem>>)
    %broadcast_in_dim3A = arith.constant 0.000000e+00 : f32
    %broadcast_in_dim3A_99 = vector.broadcast %broadcast_in_dim3A : f32 to vector<16xf32>
    %get3A_100 = arith.constant 0 : index
    %get3A_101 = tpu.vector_load %arg14[%get3A_100] {strides = array<i32>} : memref<128xf32, #tpu.memory_space<vmem>>, vector<16xf32>,
    %add3A_102 = arith.addf %broadcast_in_dim3A_99, %get3A_101 : vector<16xf32>
    %get3A_103 = arith.constant 0 : index
    %get3A_104 = tpu.vector_load %arg15[%get3A_103] {strides = array<i32>} : memref<128xf32, #tpu.memory_space<vmem>>, vector<16xf32>,
    %add3A_105 = arith.addf %add3A_102, %get3A_104 : vector<16xf32>
    %get3A_106 = arith.constant 0 : index
    %get3A_107 = tpu.vector_load %arg16[%get3A_106] {strides = array<i32>} : memref<128xf32, #tpu.memory_space<vmem>>, vector<16xf32>,
    %sub3A = arith.subf %add3A_105, %get3A_107 : vector<16xf32>
    %get3A_108 = arith.constant 16 : index
    %get3A_109 = tpu.vector_load %arg14[%get3A_108] {strides = array<i32>} : memref<128xf32, #tpu.memory_space<vmem>>, vector<16xf32>,
    %add3A_110 = arith.addf %sub3A, %get3A_109 : vector<16xf32>
    %get3A_111 = arith.constant 16 : index
    %get3A_112 = tpu.vector_load %arg15[%get3A_111] {strides = array<i32>} : memref<128xf32, #tpu.memory_space<vmem>>, vector<16xf32>,
    %add3A_113 = arith.addf %add3A_110, %get3A_112 : vector<16xf32>
    %get3A_114 = arith.constant 16 : index
    %get3A_115 = tpu.vector_load %arg16[%get3A_114] {strides = array<i32>} : memref<128xf32, #tpu.memory_space<vmem>>, vector<16xf32>,
    %sub3A_116 = arith.subf %add3A_113, %get3A_115 : vector<16xf32>
    %get3A_117 = arith.constant 32 : index
    %get3A_118 = tpu.vector_load %arg14[%get3A_117] {strides = array<i32>} : memref<128xf32, #tpu.memory_space<vmem>>, vector<16xf32>,
    %add3A_119 = arith.addf %sub3A_116, %get3A_118 : vector<16xf32>
    %get3A_120 = arith.constant 32 : index
    %get3A_121 = tpu.vector_load %arg15[%get3A_120] {strides = array<i32>} : memref<128xf32, #tpu.memory_space<vmem>>, vector<16xf32>,
    %add3A_122 = arith.addf %add3A_119, %get3A_121 : vector<16xf32>
    %get3A_123 = arith.constant 32 : index
    %get3A_124 = tpu.vector_load %arg16[%get3A_123] {strides = array<i32>} : memref<128xf32, #tpu.memory_space<vmem>>, vector<16xf32>,
    %sub3A_125 = arith.subf %add3A_122, %get3A_124 : vector<16xf32>
    %get3A_126 = arith.constant 48 : index
    %get3A_127 = tpu.vector_load %arg14[%get3A_126] {strides = array<i32>} : memref<128xf32, #tpu.memory_space<vmem>>, vector<16xf32>,
    %add3A_128 = arith.addf %sub3A_125, %get3A_127 : vector<16xf32>
    %get3A_129 = arith.constant 48 : index
    %get3A_130 = tpu.vector_load %arg15[%get3A_129] {strides = array<i32>} : memref<128xf32, #tpu.memory_space<vmem>>, vector<16xf32>,
    %add3A_131 = arith.addf %add3A_128, %get3A_130 : vector<16xf32>
    %get3A_132 = arith.constant 48 : index
    %get3A_133 = tpu.vector_load %arg16[%get3A_132] {strides = array<i32>} : memref<128xf32, #tpu.memory_space<vmem>>, vector<16xf32>,
    %sub3A_134 = arith.subf %add3A_131, %get3A_133 : vector<16xf32>
    %get3A_135 = arith.constant 64 : index
    %get3A_136 = tpu.vector_load %arg14[%get3A_135] {strides = array<i32>} : memref<128xf32, #tpu.memory_space<vmem>>, vector<16xf32>,
    %add3A_137 = arith.addf %sub3A_134, %get3A_136 : vector<16xf32>
    %get3A_138 = arith.constant 64 : index
    %get3A_139 = tpu.vector_load %arg15[%get3A_138] {strides = array<i32>} : memref<128xf32, #tpu.memory_space<vmem>>, vector<16xf32>,
    %add3A_140 = arith.addf %add3A_137, %get3A_139 : vector<16xf32>
    %get3A_141 = arith.constant 64 : index
    %get3A_142 = tpu.vector_load %arg16[%get3A_141] {strides = array<i32>} : memref<128xf32, #tpu.memory_space<vmem>>, vector<16xf32>,
    %sub3A_143 = arith.subf %add3A_140, %get3A_142 : vector<16xf32>
    %get3A_144 = arith.constant 80 : index
    %get3A_145 = tpu.vector_load %arg14[%get3A_144] {strides = array<i32>} : memref<128xf32, #tpu.memory_space<vmem>>, vector<16xf32>,
    %add3A_146 = arith.addf %sub3A_143, %get3A_145 : vector<16xf32>
    %get3A_147 = arith.constant 80 : index
    %get3A_148 = tpu.vector_load %arg15[%get3A_147] {strides = array<i32>} : memref<128xf32, #tpu.memory_space<vmem>>, vector<16xf32>,
    %add3A_149 = arith.addf %add3A_146, %get3A_148 : vector<16xf32>
    %get3A_150 = arith.constant 80 : index
    %get3A_151 = tpu.vector_load %arg16[%get3A_150] {strides = array<i32>} : memref<128xf32, #tpu.memory_space<vmem>>, vector<16xf32>,
    %sub3A_152 = arith.subf %add3A_149, %get3A_151 : vector<16xf32>
    %get3A_153 = arith.constant 96 : index
    %get3A_154 = tpu.vector_load %arg14[%get3A_153] {strides = array<i32>} : memref<128xf32, #tpu.memory_space<vmem>>, vector<16xf32>,
    %add3A_155 = arith.addf %sub3A_152, %get3A_154 : vector<16xf32>
    %get3A_156 = arith.constant 96 : index
    %get3A_157 = tpu.vector_load %arg15[%get3A_156] {strides = array<i32>} : memref<128xf32, #tpu.memory_space<vmem>>, vector<16xf32>,
    %add3A_158 = arith.addf %add3A_155, %get3A_157 : vector<16xf32>
    %get3A_159 = arith.constant 96 : index
    %get3A_160 = tpu.vector_load %arg16[%get3A_159] {strides = array<i32>} : memref<128xf32, #tpu.memory_space<vmem>>, vector<16xf32>,
    %sub3A_161 = arith.subf %add3A_158, %get3A_160 : vector<16xf32>
    %get3A_162 = arith.constant 112 : index
    %get3A_163 = tpu.vector_load %arg14[%get3A_162] {strides = array<i32>} : memref<128xf32, #tpu.memory_space<vmem>>, vector<16xf32>,
    %add3A_164 = arith.addf %sub3A_161, %get3A_163 : vector<16xf32>
    %get3A_165 = arith.constant 112 : index
    %get3A_166 = tpu.vector_load %arg15[%get3A_165] {strides = array<i32>} : memref<128xf32, #tpu.memory_space<vmem>>, vector<16xf32>,
    %add3A_167 = arith.addf %add3A_164, %get3A_166 : vector<16xf32>
    %get3A_168 = arith.constant 112 : index
    %get3A_169 = tpu.vector_load %arg16[%get3A_168] {strides = array<i32>} : memref<128xf32, #tpu.memory_space<vmem>>, vector<16xf32>,
    %sub3A_170 = arith.subf %add3A_167, %get3A_169 : vector<16xf32>
    %swap3A_171 = arith.constant 0 : i32
    %swap3A_172 = arith.index_cast %swap3A_171 : i32 to index
    %swap3A_173 = arith.constant 0 : index
    %swap3A_174 = tpu.vector_load %arg17[%swap3A_172, %swap3A_173] {strides = array<i32>} : memref<2x16xf32, #tpu.memory_space<vmem>>, vector<16xf32>,
    tpu.vector_store %arg17[%swap3A_172, %swap3A_173], %sub3A_170 {strides = array<i32>} : memref<2x16xf32, #tpu.memory_space<vmem>>, vector<16xf32>,
    %get3A_175 = arith.constant 0 : index
    %get3A_176 = tpu.vector_load %arg11[%get3A_175] {strides = array<i32>} : memref<128xi32, #tpu.memory_space<vmem>>, vector<16xi32>,
    %get3A_177 = arith.constant 0 : index
    %get3A_178 = tpu.vector_load %arg12[%get3A_177] {strides = array<i32>} : memref<128xi32, #tpu.memory_space<vmem>>, vector<16xi32>,
    %mul3A_179 = arith.constant 1000 : i32
    %mul3A_180 = vector.broadcast %mul3A_179 : i32 to vector<16xi32>
    %mul3A_181 = arith.muli %get3A_176, %mul3A_180 : vector<16xi32>
    %add3A_182 = arith.addi %mul3A_181, %get3A_178 : vector<16xi32>
    %swap3A_183 = arith.constant 0 : index
    %swap3A_184 = tpu.vector_load %arg13[%swap3A_183] {strides = array<i32>} : memref<128xi32, #tpu.memory_space<vmem>>, vector<16xi32>,
    tpu.vector_store %arg13[%swap3A_183], %add3A_182 {strides = array<i32>} : memref<128xi32, #tpu.memory_space<vmem>>, vector<16xi32>,
    %get3A_185 = arith.constant 16 : index
    %get3A_186 = tpu.vector_load %arg11[%get3A_185] {strides = array<i32>} : memref<128xi32, #tpu.memory_space<vmem>>, vector<16xi32>,
    %get3A_187 = arith.constant 16 : index
    %get3A_188 = tpu.vector_load %arg12[%get3A_187] {strides = array<i32>} : memref<128xi32, #tpu.memory_space<vmem>>, vector<16xi32>,
    %mul3A_189 = arith.constant 1000 : i32
    %mul3A_190 = vector.broadcast %mul3A_189 : i32 to vector<16xi32>
    %mul3A_191 = arith.muli %get3A_186, %mul3A_190 : vector<16xi32>
    %add3A_192 = arith.addi %mul3A_191, %get3A_188 : vector<16xi32>
    %swap3A_193 = arith.constant 16 : index
    %swap3A_194 = tpu.vector_load %arg13[%swap3A_193] {strides = array<i32>} : memref<128xi32, #tpu.memory_space<vmem>>, vector<16xi32>,
    tpu.vector_store %arg13[%swap3A_193], %add3A_192 {strides = array<i32>} : memref<128xi32, #tpu.memory_space<vmem>>, vector<16xi32>,
    %get3A_195 = arith.constant 32 : index
    %get3A_196 = tpu.vector_load %arg11[%get3A_195] {strides = array<i32>} : memref<128xi32, #tpu.memory_space<vmem>>, vector<16xi32>,
    %get3A_197 = arith.constant 32 : index
    %get3A_198 = tpu.vector_load %arg12[%get3A_197] {strides = array<i32>} : memref<128xi32, #tpu.memory_space<vmem>>, vector<16xi32>,
    %mul3A_199 = arith.constant 1000 : i32
    %mul3A_200 = vector.broadcast %mul3A_199 : i32 to vector<16xi32>
    %mul3A_201 = arith.muli %get3A_196, %mul3A_200 : vector<16xi32>
    %add3A_202 = arith.addi %mul3A_201, %get3A_198 : vector<16xi32>
    %swap3A_203 = arith.constant 32 : index
    %swap3A_204 = tpu.vector_load %arg13[%swap3A_203] {strides = array<i32>} : memref<128xi32, #tpu.memory_space<vmem>>, vector<16xi32>,
    tpu.vector_store %arg13[%swap3A_203], %add3A_202 {strides = array<i32>} : memref<128xi32, #tpu.memory_space<vmem>>, vector<16xi32>,
    %get3A_205 = arith.constant 48 : index
    %get3A_206 = tpu.vector_load %arg11[%get3A_205] {strides = array<i32>} : memref<128xi32, #tpu.memory_space<vmem>>, vector<16xi32>,
    %get3A_207 = arith.constant 48 : index
    %get3A_208 = tpu.vector_load %arg12[%get3A_207] {strides = array<i32>} : memref<128xi32, #tpu.memory_space<vmem>>, vector<16xi32>,
    %mul3A_209 = arith.constant 1000 : i32
    %mul3A_210 = vector.broadcast %mul3A_209 : i32 to vector<16xi32>
    %mul3A_211 = arith.muli %get3A_206, %mul3A_210 : vector<16xi32>
    %add3A_212 = arith.addi %mul3A_211, %get3A_208 : vector<16xi32>
    %swap3A_213 = arith.constant 48 : index
    %swap3A_214 = tpu.vector_load %arg13[%swap3A_213] {strides = array<i32>} : memref<128xi32, #tpu.memory_space<vmem>>, vector<16xi32>,
    tpu.vector_store %arg13[%swap3A_213], %add3A_212 {strides = array<i32>} : memref<128xi32, #tpu.memory_space<vmem>>, vector<16xi32>,
    %get3A_215 = arith.constant 64 : index
    %get3A_216 = tpu.vector_load %arg11[%get3A_215] {strides = array<i32>} : memref<128xi32, #tpu.memory_space<vmem>>, vector<16xi32>,
    %get3A_217 = arith.constant 64 : index
    %get3A_218 = tpu.vector_load %arg12[%get3A_217] {strides = array<i32>} : memref<128xi32, #tpu.memory_space<vmem>>, vector<16xi32>,
    %mul3A_219 = arith.constant 1000 : i32
    %mul3A_220 = vector.broadcast %mul3A_219 : i32 to vector<16xi32>
    %mul3A_221 = arith.muli %get3A_216, %mul3A_220 : vector<16xi32>
    %add3A_222 = arith.addi %mul3A_221, %get3A_218 : vector<16xi32>
    %swap3A_223 = arith.constant 64 : index
    %swap3A_224 = tpu.vector_load %arg13[%swap3A_223] {strides = array<i32>} : memref<128xi32, #tpu.memory_space<vmem>>, vector<16xi32>,
    tpu.vector_store %arg13[%swap3A_223], %add3A_222 {strides = array<i32>} : memref<128xi32, #tpu.memory_space<vmem>>, vector<16xi32>,
    %get3A_225 = arith.constant 80 : index
    %get3A_226 = tpu.vector_load %arg11[%get3A_225] {strides = array<i32>} : memref<128xi32, #tpu.memory_space<vmem>>, vector<16xi32>,
    %get3A_227 = arith.constant 80 : index
    %get3A_228 = tpu.vector_load %arg12[%get3A_227] {strides = array<i32>} : memref<128xi32, #tpu.memory_space<vmem>>, vector<16xi32>,
    %mul3A_229 = arith.constant 1000 : i32
    %mul3A_230 = vector.broadcast %mul3A_229 : i32 to vector<16xi32>
    %mul3A_231 = arith.muli %get3A_226, %mul3A_230 : vector<16xi32>
    %add3A_232 = arith.addi %mul3A_231, %get3A_228 : vector<16xi32>
    %swap3A_233 = arith.constant 80 : index
    %swap3A_234 = tpu.vector_load %arg13[%swap3A_233] {strides = array<i32>} : memref<128xi32, #tpu.memory_space<vmem>>, vector<16xi32>,
    tpu.vector_store %arg13[%swap3A_233], %add3A_232 {strides = array<i32>} : memref<128xi32, #tpu.memory_space<vmem>>, vector<16xi32>,
    %get3A_235 = arith.constant 96 : index
    %get3A_236 = tpu.vector_load %arg11[%get3A_235] {strides = array<i32>} : memref<128xi32, #tpu.memory_space<vmem>>, vector<16xi32>,
    %get3A_237 = arith.constant 96 : index
    %get3A_238 = tpu.vector_load %arg12[%get3A_237] {strides = array<i32>} : memref<128xi32, #tpu.memory_space<vmem>>, vector<16xi32>,
    %mul3A_239 = arith.constant 1000 : i32
    %mul3A_240 = vector.broadcast %mul3A_239 : i32 to vector<16xi32>
    %mul3A_241 = arith.muli %get3A_236, %mul3A_240 : vector<16xi32>
    %add3A_242 = arith.addi %mul3A_241, %get3A_238 : vector<16xi32>
    %swap3A_243 = arith.constant 96 : index
    %swap3A_244 = tpu.vector_load %arg13[%swap3A_243] {strides = array<i32>} : memref<128xi32, #tpu.memory_space<vmem>>, vector<16xi32>,
    tpu.vector_store %arg13[%swap3A_243], %add3A_242 {strides = array<i32>} : memref<128xi32, #tpu.memory_space<vmem>>, vector<16xi32>,
    %get3A_245 = arith.constant 112 : index
    %get3A_246 = tpu.vector_load %arg11[%get3A_245] {strides = array<i32>} : memref<128xi32, #tpu.memory_space<vmem>>, vector<16xi32>,
    %get3A_247 = arith.constant 112 : index
    %get3A_248 = tpu.vector_load %arg12[%get3A_247] {strides = array<i32>} : memref<128xi32, #tpu.memory_space<vmem>>, vector<16xi32>,
    %mul3A_249 = arith.constant 1000 : i32
    %mul3A_250 = vector.broadcast %mul3A_249 : i32 to vector<16xi32>
    %mul3A_251 = arith.muli %get3A_246, %mul3A_250 : vector<16xi32>
    %add3A_252 = arith.addi %mul3A_251, %get3A_248 : vector<16xi32>
    %swap3A_253 = arith.constant 112 : index
    %swap3A_254 = tpu.vector_load %arg13[%swap3A_253] {strides = array<i32>} : memref<128xi32, #tpu.memory_space<vmem>>, vector<16xi32>,
    tpu.vector_store %arg13[%swap3A_253], %add3A_252 {strides = array<i32>} : memref<128xi32, #tpu.memory_space<vmem>>, vector<16xi32>,
    %dma_start3A_255 = arith.constant 0 : i32
    %dma_start3A_256 = tpu.memref_slice %arg9[%dma_start3A_255] : memref<1000000xf32, #tpu.memory_space<hbm>> -> memref<1000000xf32, #tpu.memory_space<hbm>>
    tpu.enqueue_indirect_dma source(%dma_start3A_256 : memref<1000000xf32, #tpu.memory_space<hbm>>) target(%arg14 : memref<128xf32, #tpu.memory_space<vmem>>) offsets(%arg13 : memref<128xi32, #tpu.memory_space<vmem>>) semaphore(%arg18 : memref<!tpu.dma_semaphore, #tpu.memory_space<semaphore_mem>>)
    %dma_start3A_257 = arith.constant 0 : i32
    %dma_start3A_258 = tpu.memref_slice %arg6[%dma_start3A_257] : memref<1000xf32, #tpu.memory_space<hbm>> -> memref<1000xf32, #tpu.memory_space<hbm>>
    tpu.enqueue_indirect_dma source(%dma_start3A_258 : memref<1000xf32, #tpu.memory_space<hbm>>) target(%arg15 : memref<128xf32, #tpu.memory_space<vmem>>) offsets(%arg12 : memref<128xi32, #tpu.memory_space<vmem>>) semaphore(%arg18 : memref<!tpu.dma_semaphore, #tpu.memory_space<semaphore_mem>>)
    %dma_start3A_259 = arith.constant 0 : i32
    %dma_start3A_260 = tpu.memref_slice %arg7[%dma_start3A_259] : memref<1000xf32, #tpu.memory_space<hbm>> -> memref<1000xf32, #tpu.memory_space<hbm>>
    tpu.enqueue_indirect_dma source(%dma_start3A_260 : memref<1000xf32, #tpu.memory_space<hbm>>) target(%arg16 : memref<128xf32, #tpu.memory_space<vmem>>) offsets(%arg12 : memref<128xi32, #tpu.memory_space<vmem>>) semaphore(%arg18 : memref<!tpu.dma_semaphore, #tpu.memory_space<semaphore_mem>>)
    %dma_wait3A_261 = arith.constant 0 : i32
    %dma_wait3A_262 = tpu.memref_slice %arg9[%dma_wait3A_261] : memref<1000000xf32, #tpu.memory_space<hbm>> -> memref<1000000xf32, #tpu.memory_space<hbm>>
    tpu.wait_indirect_dma semaphore(%arg18 : memref<!tpu.dma_semaphore, #tpu.memory_space<semaphore_mem>>) src(%dma_wait3A_262 : memref<1000000xf32, #tpu.memory_space<hbm>>) dst(%arg14 : memref<128xf32, #tpu.memory_space<vmem>>)
    %dma_wait3A_263 = arith.constant 0 : i32
    %dma_wait3A_264 = tpu.memref_slice %arg6[%dma_wait3A_263] : memref<1000xf32, #tpu.memory_space<hbm>> -> memref<1000xf32, #tpu.memory_space<hbm>>
    tpu.wait_indirect_dma semaphore(%arg18 : memref<!tpu.dma_semaphore, #tpu.memory_space<semaphore_mem>>) src(%dma_wait3A_264 : memref<1000xf32, #tpu.memory_space<hbm>>) dst(%arg15 : memref<128xf32, #tpu.memory_space<vmem>>)
    %dma_wait3A_265 = arith.constant 0 : i32
    %dma_wait3A_266 = tpu.memref_slice %arg7[%dma_wait3A_265] : memref<1000xf32, #tpu.memory_space<hbm>> -> memref<1000xf32, #tpu.memory_space<hbm>>
    tpu.wait_indirect_dma semaphore(%arg18 : memref<!tpu.dma_semaphore, #tpu.memory_space<semaphore_mem>>) src(%dma_wait3A_266 : memref<1000xf32, #tpu.memory_space<hbm>>) dst(%arg16 : memref<128xf32, #tpu.memory_space<vmem>>)
    %broadcast_in_dim3A_267 = arith.constant 0.000000e+00 : f32
    %broadcast_in_dim3A_268 = vector.broadcast %broadcast_in_dim3A_267 : f32 to vector<16xf32>
    %get3A_269 = arith.constant 0 : index
    %get3A_270 = tpu.vector_load %arg14[%get3A_269] {strides = array<i32>} : memref<128xf32, #tpu.memory_space<vmem>>, vector<16xf32>,
    %add3A_271 = arith.addf %broadcast_in_dim3A_268, %get3A_270 : vector<16xf32>
    %get3A_272 = arith.constant 0 : index
    %get3A_273 = tpu.vector_load %arg15[%get3A_272] {strides = array<i32>} : memref<128xf32, #tpu.memory_space<vmem>>, vector<16xf32>,
    %add3A_274 = arith.addf %add3A_271, %get3A_273 : vector<16xf32>
    %get3A_275 = arith.constant 0 : index
    %get3A_276 = tpu.vector_load %arg16[%get3A_275] {strides = array<i32>} : memref<128xf32, #tpu.memory_space<vmem>>, vector<16xf32>,
    %sub3A_277 = arith.subf %add3A_274, %get3A_276 : vector<16xf32>
    %get3A_278 = arith.constant 16 : index
    %get3A_279 = tpu.vector_load %arg14[%get3A_278] {strides = array<i32>} : memref<128xf32, #tpu.memory_space<vmem>>, vector<16xf32>,
    %add3A_280 = arith.addf %sub3A_277, %get3A_279 : vector<16xf32>
    %get3A_281 = arith.constant 16 : index
    %get3A_282 = tpu.vector_load %arg15[%get3A_281] {strides = array<i32>} : memref<128xf32, #tpu.memory_space<vmem>>, vector<16xf32>,
    %add3A_283 = arith.addf %add3A_280, %get3A_282 : vector<16xf32>
    %get3A_284 = arith.constant 16 : index
    %get3A_285 = tpu.vector_load %arg16[%get3A_284] {strides = array<i32>} : memref<128xf32, #tpu.memory_space<vmem>>, vector<16xf32>,
    %sub3A_286 = arith.subf %add3A_283, %get3A_285 : vector<16xf32>
    %get3A_287 = arith.constant 32 : index
    %get3A_288 = tpu.vector_load %arg14[%get3A_287] {strides = array<i32>} : memref<128xf32, #tpu.memory_space<vmem>>, vector<16xf32>,
    %add3A_289 = arith.addf %sub3A_286, %get3A_288 : vector<16xf32>
    %get3A_290 = arith.constant 32 : index
    %get3A_291 = tpu.vector_load %arg15[%get3A_290] {strides = array<i32>} : memref<128xf32, #tpu.memory_space<vmem>>, vector<16xf32>,
    %add3A_292 = arith.addf %add3A_289, %get3A_291 : vector<16xf32>
    %get3A_293 = arith.constant 32 : index
    %get3A_294 = tpu.vector_load %arg16[%get3A_293] {strides = array<i32>} : memref<128xf32, #tpu.memory_space<vmem>>, vector<16xf32>,
    %sub3A_295 = arith.subf %add3A_292, %get3A_294 : vector<16xf32>
    %get3A_296 = arith.constant 48 : index
    %get3A_297 = tpu.vector_load %arg14[%get3A_296] {strides = array<i32>} : memref<128xf32, #tpu.memory_space<vmem>>, vector<16xf32>,
    %add3A_298 = arith.addf %sub3A_295, %get3A_297 : vector<16xf32>
    %get3A_299 = arith.constant 48 : index
    %get3A_300 = tpu.vector_load %arg15[%get3A_299] {strides = array<i32>} : memref<128xf32, #tpu.memory_space<vmem>>, vector<16xf32>,
    %add3A_301 = arith.addf %add3A_298, %get3A_300 : vector<16xf32>
    %get3A_302 = arith.constant 48 : index
    %get3A_303 = tpu.vector_load %arg16[%get3A_302] {strides = array<i32>} : memref<128xf32, #tpu.memory_space<vmem>>, vector<16xf32>,
    %sub3A_304 = arith.subf %add3A_301, %get3A_303 : vector<16xf32>
    %get3A_305 = arith.constant 64 : index
    %get3A_306 = tpu.vector_load %arg14[%get3A_305] {strides = array<i32>} : memref<128xf32, #tpu.memory_space<vmem>>, vector<16xf32>,
    %add3A_307 = arith.addf %sub3A_304, %get3A_306 : vector<16xf32>
    %get3A_308 = arith.constant 64 : index
    %get3A_309 = tpu.vector_load %arg15[%get3A_308] {strides = array<i32>} : memref<128xf32, #tpu.memory_space<vmem>>, vector<16xf32>,
    %add3A_310 = arith.addf %add3A_307, %get3A_309 : vector<16xf32>
    %get3A_311 = arith.constant 64 : index
    %get3A_312 = tpu.vector_load %arg16[%get3A_311] {strides = array<i32>} : memref<128xf32, #tpu.memory_space<vmem>>, vector<16xf32>,
    %sub3A_313 = arith.subf %add3A_310, %get3A_312 : vector<16xf32>
    %get3A_314 = arith.constant 80 : index
    %get3A_315 = tpu.vector_load %arg14[%get3A_314] {strides = array<i32>} : memref<128xf32, #tpu.memory_space<vmem>>, vector<16xf32>,
    %add3A_316 = arith.addf %sub3A_313, %get3A_315 : vector<16xf32>
    %get3A_317 = arith.constant 80 : index
    %get3A_318 = tpu.vector_load %arg15[%get3A_317] {strides = array<i32>} : memref<128xf32, #tpu.memory_space<vmem>>, vector<16xf32>,
    %add3A_319 = arith.addf %add3A_316, %get3A_318 : vector<16xf32>
    %get3A_320 = arith.constant 80 : index
    %get3A_321 = tpu.vector_load %arg16[%get3A_320] {strides = array<i32>} : memref<128xf32, #tpu.memory_space<vmem>>, vector<16xf32>,
    %sub3A_322 = arith.subf %add3A_319, %get3A_321 : vector<16xf32>
    %get3A_323 = arith.constant 96 : index
    %get3A_324 = tpu.vector_load %arg14[%get3A_323] {strides = array<i32>} : memref<128xf32, #tpu.memory_space<vmem>>, vector<16xf32>,
    %add3A_325 = arith.addf %sub3A_322, %get3A_324 : vector<16xf32>
    %get3A_326 = arith.constant 96 : index
    %get3A_327 = tpu.vector_load %arg15[%get3A_326] {strides = array<i32>} : memref<128xf32, #tpu.memory_space<vmem>>, vector<16xf32>,
    %add3A_328 = arith.addf %add3A_325, %get3A_327 : vector<16xf32>
    %get3A_329 = arith.constant 96 : index
    %get3A_330 = tpu.vector_load %arg16[%get3A_329] {strides = array<i32>} : memref<128xf32, #tpu.memory_space<vmem>>, vector<16xf32>,
    %sub3A_331 = arith.subf %add3A_328, %get3A_330 : vector<16xf32>
    %get3A_332 = arith.constant 112 : index
    %get3A_333 = tpu.vector_load %arg14[%get3A_332] {strides = array<i32>} : memref<128xf32, #tpu.memory_space<vmem>>, vector<16xf32>,
    %add3A_334 = arith.addf %sub3A_331, %get3A_333 : vector<16xf32>
    %get3A_335 = arith.constant 112 : index
    %get3A_336 = tpu.vector_load %arg15[%get3A_335] {strides = array<i32>} : memref<128xf32, #tpu.memory_space<vmem>>, vector<16xf32>,
    %add3A_337 = arith.addf %add3A_334, %get3A_336 : vector<16xf32>
    %get3A_338 = arith.constant 112 : index
    %get3A_339 = tpu.vector_load %arg16[%get3A_338] {strides = array<i32>} : memref<128xf32, #tpu.memory_space<vmem>>, vector<16xf32>,
    %sub3A_340 = arith.subf %add3A_337, %get3A_339 : vector<16xf32>
    %swap3A_341 = arith.constant 1 : i32
    %swap3A_342 = arith.index_cast %swap3A_341 : i32 to index
    %swap3A_343 = arith.constant 0 : index
    %swap3A_344 = tpu.vector_load %arg17[%swap3A_342, %swap3A_343] {strides = array<i32>} : memref<2x16xf32, #tpu.memory_space<vmem>>, vector<16xf32>,
    tpu.vector_store %arg17[%swap3A_342, %swap3A_343], %sub3A_340 {strides = array<i32>} : memref<2x16xf32, #tpu.memory_space<vmem>>, vector<16xf32>,
    "tpu.region"() ({
      %run_scoped3A = tpu.sem_alloc : memref<!tpu.dma_semaphore, #tpu.memory_space<semaphore_mem>>
      %dma_start3A_345 = arith.constant 0 : i32
      %dma_start3A_346 = arith.constant 0 : i32
      %dma_start3A_347 = tpu.memref_slice %arg10[%add3A, %dma_start3A_345, %dma_start3A_346] : memref<32x2x16xf32, #tpu.memory_space<hbm>> -> memref<1x2x16xf32, #tpu.memory_space<hbm>>
      %dma_start3A_348 = tpu.memref_squeeze %dma_start3A_347 : memref<1x2x16xf32, #tpu.memory_space<hbm>> -> memref<2x16xf32, #tpu.memory_space<hbm>>
      %dma_start3A_349 = arith.constant 0 : i32
      %dma_start3A_350 = arith.constant 0 : i32
      %dma_start3A_351 = tpu.memref_slice %arg10[%add3A, %dma_start3A_349, %dma_start3A_350] : memref<32x2x16xf32, #tpu.memory_space<hbm>> -> memref<1x2x16xf32, #tpu.memory_space<hbm>>
      %dma_start3A_352 = tpu.memref_squeeze %dma_start3A_351 : memref<1x2x16xf32, #tpu.memory_space<hbm>> -> memref<2x16xf32, #tpu.memory_space<hbm>>
      tpu.enqueue_dma source(%arg17 : memref<2x16xf32, #tpu.memory_space<vmem>>) target(%dma_start3A_352 : memref<2x16xf32, #tpu.memory_space<hbm>>) target_semaphore(%run_scoped3A : memref<!tpu.dma_semaphore, #tpu.memory_space<semaphore_mem>>)
      %dma_wait3A_353 = arith.constant 0 : i32
      %dma_wait3A_354 = arith.constant 0 : i32
      %dma_wait3A_355 = tpu.memref_slice %arg10[%add3A, %dma_wait3A_353, %dma_wait3A_354] : memref<32x2x16xf32, #tpu.memory_space<hbm>> -> memref<1x2x16xf32, #tpu.memory_space<hbm>>
      %dma_wait3A_356 = tpu.memref_squeeze %dma_wait3A_355 : memref<1x2x16xf32, #tpu.memory_space<hbm>> -> memref<2x16xf32, #tpu.memory_space<hbm>>
      %dma_wait3A_357 = arith.constant 0 : i32
      %dma_wait3A_358 = arith.constant 0 : i32
      %dma_wait3A_359 = tpu.memref_slice %arg10[%add3A, %dma_wait3A_357, %dma_wait3A_358] : memref<32x2x16xf32, #tpu.memory_space<hbm>> -> memref<1x2x16xf32, #tpu.memory_space<hbm>>
      %dma_wait3A_360 = tpu.memref_squeeze %dma_wait3A_359 : memref<1x2x16xf32, #tpu.memory_space<hbm>> -> memref<2x16xf32, #tpu.memory_space<hbm>>
      tpu.wait_dma2 semaphore(%run_scoped3A : memref<!tpu.dma_semaphore, #tpu.memory_space<semaphore_mem>>) src(%arg17 : memref<2x16xf32, #tpu.memory_space<vmem>>) dst(%dma_wait3A_360 : memref<2x16xf32, #tpu.memory_space<hbm>>)
      tpu.yield
    }) : () -> ()
    return
  }
}

module attributes {stable_mosaic.version = 14 : i64} {
  func.func @_argmax_body(%arg0: i32, %arg1: memref<4096x10x1000xf32, #tpu.memory_space<any>>, %arg2: memref<4096xi32, #tpu.memory_space<vmem>>, %arg3: memref<4096xi32, #tpu.memory_space<vmem>>, %arg4: memref<6x2x128x1000xf32, #tpu.memory_space<vmem>>, %arg5: memref<6x2x!tpu.dma_semaphore, #tpu.memory_space<semaphore_mem>>) attributes {dimension_semantics = [#tpu.dimension_semantics<arbitrary>], iteration_bounds = array<i64: 32>, scalar_prefetch = 0 : i64, scratch_operands = 2 : i64, tpu.core_type = #tpu.core_type<tc>, window_params = [{}, {pipeline_mode = #tpu.pipeline_mode<synchronous>, transform_indices = @transform_1, window_bounds = array<i64: 4096>}, {pipeline_mode = #tpu.pipeline_mode<synchronous>, transform_indices = @transform_2, window_bounds = array<i64: 4096>}]} {
    %eq3A = arith.constant 0 : i32
    %eq3A_0 = arith.cmpi eq, %arg0, %eq3A : i32
    %convert_element_type3A = arith.extui %eq3A_0 : i1 to i32
    %cond3A = arith.constant 0 : i32
    %cond3A_1 = arith.cmpi ne, %convert_element_type3A, %cond3A : i32
    scf.if %cond3A_1 {
      %dma_start3A = arith.constant 0 : i32
      %dma_start3A_53 = arith.constant 0 : i32
      %dma_start3A_54 = arith.constant 0 : i32
      %dma_start3A_55 = arith.constant 0 : i32
      %dma_start3A_56 = arith.constant 0 : i32
      %dma_start3A_57 = tpu.memref_slice %arg5[%dma_start3A_55, %dma_start3A_56] : memref<6x2x!tpu.dma_semaphore, #tpu.memory_space<semaphore_mem>> -> memref<1x1x!tpu.dma_semaphore, #tpu.memory_space<semaphore_mem>>
      %dma_start3A_58 = tpu.memref_squeeze %dma_start3A_57 : memref<1x1x!tpu.dma_semaphore, #tpu.memory_space<semaphore_mem>> -> memref<!tpu.dma_semaphore, #tpu.memory_space<semaphore_mem>>
      %dma_start3A_59 = arith.constant 0 : i32
      %dma_start3A_60 = arith.constant 0 : i32
      %dma_start3A_61 = tpu.memref_slice %arg4[%dma_start3A_53, %dma_start3A_54, %dma_start3A_59, %dma_start3A_60] : memref<6x2x128x1000xf32, #tpu.memory_space<vmem>> -> memref<1x1x128x1000xf32, #tpu.memory_space<vmem>>
      %dma_start3A_62 = tpu.memref_squeeze %dma_start3A_61 : memref<1x1x128x1000xf32, #tpu.memory_space<vmem>> -> memref<128x1000xf32, #tpu.memory_space<vmem>>
      %dma_start3A_63 = arith.constant 0 : i32
      %dma_start3A_64 = arith.constant 0 : i32
      %dma_start3A_65 = tpu.memref_slice %arg1[%dma_start3A_63, %dma_start3A, %dma_start3A_64] : memref<4096x10x1000xf32, #tpu.memory_space<any>> -> memref<128x1x1000xf32, #tpu.memory_space<any>>
      %dma_start3A_66 = tpu.memref_squeeze %dma_start3A_65 : memref<128x1x1000xf32, #tpu.memory_space<any>> -> memref<128x1000xf32, #tpu.memory_space<any>>
      tpu.enqueue_dma source(%dma_start3A_66 : memref<128x1000xf32, #tpu.memory_space<any>>) target(%dma_start3A_62 : memref<128x1000xf32, #tpu.memory_space<vmem>>) target_semaphore(%dma_start3A_58 : memref<!tpu.dma_semaphore, #tpu.memory_space<semaphore_mem>>)
      %dma_start3A_67 = arith.constant 1 : i32
      %dma_start3A_68 = arith.constant 0 : i32
      %dma_start3A_69 = arith.constant 1 : i32
      %dma_start3A_70 = arith.constant 0 : i32
      %dma_start3A_71 = arith.constant 1 : i32
      %dma_start3A_72 = tpu.memref_slice %arg5[%dma_start3A_70, %dma_start3A_71] : memref<6x2x!tpu.dma_semaphore, #tpu.memory_space<semaphore_mem>> -> memref<1x1x!tpu.dma_semaphore, #tpu.memory_space<semaphore_mem>>
      %dma_start3A_73 = tpu.memref_squeeze %dma_start3A_72 : memref<1x1x!tpu.dma_semaphore, #tpu.memory_space<semaphore_mem>> -> memref<!tpu.dma_semaphore, #tpu.memory_space<semaphore_mem>>
      %dma_start3A_74 = arith.constant 0 : i32
      %dma_start3A_75 = arith.constant 0 : i32
      %dma_start3A_76 = tpu.memref_slice %arg4[%dma_start3A_68, %dma_start3A_69, %dma_start3A_74, %dma_start3A_75] : memref<6x2x128x1000xf32, #tpu.memory_space<vmem>> -> memref<1x1x128x1000xf32, #tpu.memory_space<vmem>>
      %dma_start3A_77 = tpu.memref_squeeze %dma_start3A_76 : memref<1x1x128x1000xf32, #tpu.memory_space<vmem>> -> memref<128x1000xf32, #tpu.memory_space<vmem>>
      %dma_start3A_78 = arith.constant 0 : i32
      %dma_start3A_79 = arith.constant 0 : i32
      %dma_start3A_80 = tpu.memref_slice %arg1[%dma_start3A_78, %dma_start3A_67, %dma_start3A_79] : memref<4096x10x1000xf32, #tpu.memory_space<any>> -> memref<128x1x1000xf32, #tpu.memory_space<any>>
      %dma_start3A_81 = tpu.memref_squeeze %dma_start3A_80 : memref<128x1x1000xf32, #tpu.memory_space<any>> -> memref<128x1000xf32, #tpu.memory_space<any>>
      tpu.enqueue_dma source(%dma_start3A_81 : memref<128x1000xf32, #tpu.memory_space<any>>) target(%dma_start3A_77 : memref<128x1000xf32, #tpu.memory_space<vmem>>) target_semaphore(%dma_start3A_73 : memref<!tpu.dma_semaphore, #tpu.memory_space<semaphore_mem>>)
      %dma_start3A_82 = arith.constant 0 : i32
      %dma_start3A_83 = arith.constant 1 : i32
      %dma_start3A_84 = arith.constant 0 : i32
      %dma_start3A_85 = arith.constant 1 : i32
      %dma_start3A_86 = arith.constant 0 : i32
      %dma_start3A_87 = tpu.memref_slice %arg5[%dma_start3A_85, %dma_start3A_86] : memref<6x2x!tpu.dma_semaphore, #tpu.memory_space<semaphore_mem>> -> memref<1x1x!tpu.dma_semaphore, #tpu.memory_space<semaphore_mem>>
      %dma_start3A_88 = tpu.memref_squeeze %dma_start3A_87 : memref<1x1x!tpu.dma_semaphore, #tpu.memory_space<semaphore_mem>> -> memref<!tpu.dma_semaphore, #tpu.memory_space<semaphore_mem>>
      %dma_start3A_89 = arith.constant 0 : i32
      %dma_start3A_90 = arith.constant 0 : i32
      %dma_start3A_91 = tpu.memref_slice %arg4[%dma_start3A_83, %dma_start3A_84, %dma_start3A_89, %dma_start3A_90] : memref<6x2x128x1000xf32, #tpu.memory_space<vmem>> -> memref<1x1x128x1000xf32, #tpu.memory_space<vmem>>
      %dma_start3A_92 = tpu.memref_squeeze %dma_start3A_91 : memref<1x1x128x1000xf32, #tpu.memory_space<vmem>> -> memref<128x1000xf32, #tpu.memory_space<vmem>>
      %dma_start3A_93 = arith.constant 128 : i32
      %dma_start3A_94 = arith.constant 0 : i32
      %dma_start3A_95 = tpu.memref_slice %arg1[%dma_start3A_93, %dma_start3A_82, %dma_start3A_94] : memref<4096x10x1000xf32, #tpu.memory_space<any>> -> memref<128x1x1000xf32, #tpu.memory_space<any>>
      %dma_start3A_96 = tpu.memref_squeeze %dma_start3A_95 : memref<128x1x1000xf32, #tpu.memory_space<any>> -> memref<128x1000xf32, #tpu.memory_space<any>>
      tpu.enqueue_dma source(%dma_start3A_96 : memref<128x1000xf32, #tpu.memory_space<any>>) target(%dma_start3A_92 : memref<128x1000xf32, #tpu.memory_space<vmem>>) target_semaphore(%dma_start3A_88 : memref<!tpu.dma_semaphore, #tpu.memory_space<semaphore_mem>>)
      %dma_start3A_97 = arith.constant 1 : i32
      %dma_start3A_98 = arith.constant 1 : i32
      %dma_start3A_99 = arith.constant 1 : i32
      %dma_start3A_100 = arith.constant 1 : i32
      %dma_start3A_101 = arith.constant 1 : i32
      %dma_start3A_102 = tpu.memref_slice %arg5[%dma_start3A_100, %dma_start3A_101] : memref<6x2x!tpu.dma_semaphore, #tpu.memory_space<semaphore_mem>> -> memref<1x1x!tpu.dma_semaphore, #tpu.memory_space<semaphore_mem>>
      %dma_start3A_103 = tpu.memref_squeeze %dma_start3A_102 : memref<1x1x!tpu.dma_semaphore, #tpu.memory_space<semaphore_mem>> -> memref<!tpu.dma_semaphore, #tpu.memory_space<semaphore_mem>>
      %dma_start3A_104 = arith.constant 0 : i32
      %dma_start3A_105 = arith.constant 0 : i32
      %dma_start3A_106 = tpu.memref_slice %arg4[%dma_start3A_98, %dma_start3A_99, %dma_start3A_104, %dma_start3A_105] : memref<6x2x128x1000xf32, #tpu.memory_space<vmem>> -> memref<1x1x128x1000xf32, #tpu.memory_space<vmem>>
      %dma_start3A_107 = tpu.memref_squeeze %dma_start3A_106 : memref<1x1x128x1000xf32, #tpu.memory_space<vmem>> -> memref<128x1000xf32, #tpu.memory_space<vmem>>
      %dma_start3A_108 = arith.constant 128 : i32
      %dma_start3A_109 = arith.constant 0 : i32
      %dma_start3A_110 = tpu.memref_slice %arg1[%dma_start3A_108, %dma_start3A_97, %dma_start3A_109] : memref<4096x10x1000xf32, #tpu.memory_space<any>> -> memref<128x1x1000xf32, #tpu.memory_space<any>>
      %dma_start3A_111 = tpu.memref_squeeze %dma_start3A_110 : memref<128x1x1000xf32, #tpu.memory_space<any>> -> memref<128x1000xf32, #tpu.memory_space<any>>
      tpu.enqueue_dma source(%dma_start3A_111 : memref<128x1000xf32, #tpu.memory_space<any>>) target(%dma_start3A_107 : memref<128x1000xf32, #tpu.memory_space<vmem>>) target_semaphore(%dma_start3A_103 : memref<!tpu.dma_semaphore, #tpu.memory_space<semaphore_mem>>)
      %dma_start3A_112 = arith.constant 0 : i32
      %dma_start3A_113 = arith.constant 2 : i32
      %dma_start3A_114 = arith.constant 0 : i32
      %dma_start3A_115 = arith.constant 2 : i32
      %dma_start3A_116 = arith.constant 0 : i32
      %dma_start3A_117 = tpu.memref_slice %arg5[%dma_start3A_115, %dma_start3A_116] : memref<6x2x!tpu.dma_semaphore, #tpu.memory_space<semaphore_mem>> -> memref<1x1x!tpu.dma_semaphore, #tpu.memory_space<semaphore_mem>>
      %dma_start3A_118 = tpu.memref_squeeze %dma_start3A_117 : memref<1x1x!tpu.dma_semaphore, #tpu.memory_space<semaphore_mem>> -> memref<!tpu.dma_semaphore, #tpu.memory_space<semaphore_mem>>
      %dma_start3A_119 = arith.constant 0 : i32
      %dma_start3A_120 = arith.constant 0 : i32
      %dma_start3A_121 = tpu.memref_slice %arg4[%dma_start3A_113, %dma_start3A_114, %dma_start3A_119, %dma_start3A_120] : memref<6x2x128x1000xf32, #tpu.memory_space<vmem>> -> memref<1x1x128x1000xf32, #tpu.memory_space<vmem>>
      %dma_start3A_122 = tpu.memref_squeeze %dma_start3A_121 : memref<1x1x128x1000xf32, #tpu.memory_space<vmem>> -> memref<128x1000xf32, #tpu.memory_space<vmem>>
      %dma_start3A_123 = arith.constant 256 : i32
      %dma_start3A_124 = arith.constant 0 : i32
      %dma_start3A_125 = tpu.memref_slice %arg1[%dma_start3A_123, %dma_start3A_112, %dma_start3A_124] : memref<4096x10x1000xf32, #tpu.memory_space<any>> -> memref<128x1x1000xf32, #tpu.memory_space<any>>
      %dma_start3A_126 = tpu.memref_squeeze %dma_start3A_125 : memref<128x1x1000xf32, #tpu.memory_space<any>> -> memref<128x1000xf32, #tpu.memory_space<any>>
      tpu.enqueue_dma source(%dma_start3A_126 : memref<128x1000xf32, #tpu.memory_space<any>>) target(%dma_start3A_122 : memref<128x1000xf32, #tpu.memory_space<vmem>>) target_semaphore(%dma_start3A_118 : memref<!tpu.dma_semaphore, #tpu.memory_space<semaphore_mem>>)
      %dma_start3A_127 = arith.constant 1 : i32
      %dma_start3A_128 = arith.constant 2 : i32
      %dma_start3A_129 = arith.constant 1 : i32
      %dma_start3A_130 = arith.constant 2 : i32
      %dma_start3A_131 = arith.constant 1 : i32
      %dma_start3A_132 = tpu.memref_slice %arg5[%dma_start3A_130, %dma_start3A_131] : memref<6x2x!tpu.dma_semaphore, #tpu.memory_space<semaphore_mem>> -> memref<1x1x!tpu.dma_semaphore, #tpu.memory_space<semaphore_mem>>
      %dma_start3A_133 = tpu.memref_squeeze %dma_start3A_132 : memref<1x1x!tpu.dma_semaphore, #tpu.memory_space<semaphore_mem>> -> memref<!tpu.dma_semaphore, #tpu.memory_space<semaphore_mem>>
      %dma_start3A_134 = arith.constant 0 : i32
      %dma_start3A_135 = arith.constant 0 : i32
      %dma_start3A_136 = tpu.memref_slice %arg4[%dma_start3A_128, %dma_start3A_129, %dma_start3A_134, %dma_start3A_135] : memref<6x2x128x1000xf32, #tpu.memory_space<vmem>> -> memref<1x1x128x1000xf32, #tpu.memory_space<vmem>>
      %dma_start3A_137 = tpu.memref_squeeze %dma_start3A_136 : memref<1x1x128x1000xf32, #tpu.memory_space<vmem>> -> memref<128x1000xf32, #tpu.memory_space<vmem>>
      %dma_start3A_138 = arith.constant 256 : i32
      %dma_start3A_139 = arith.constant 0 : i32
      %dma_start3A_140 = tpu.memref_slice %arg1[%dma_start3A_138, %dma_start3A_127, %dma_start3A_139] : memref<4096x10x1000xf32, #tpu.memory_space<any>> -> memref<128x1x1000xf32, #tpu.memory_space<any>>
      %dma_start3A_141 = tpu.memref_squeeze %dma_start3A_140 : memref<128x1x1000xf32, #tpu.memory_space<any>> -> memref<128x1000xf32, #tpu.memory_space<any>>
      tpu.enqueue_dma source(%dma_start3A_141 : memref<128x1000xf32, #tpu.memory_space<any>>) target(%dma_start3A_137 : memref<128x1000xf32, #tpu.memory_space<vmem>>) target_semaphore(%dma_start3A_133 : memref<!tpu.dma_semaphore, #tpu.memory_space<semaphore_mem>>)
      %dma_start3A_142 = arith.constant 0 : i32
      %dma_start3A_143 = arith.constant 3 : i32
      %dma_start3A_144 = arith.constant 0 : i32
      %dma_start3A_145 = arith.constant 3 : i32
      %dma_start3A_146 = arith.constant 0 : i32
      %dma_start3A_147 = tpu.memref_slice %arg5[%dma_start3A_145, %dma_start3A_146] : memref<6x2x!tpu.dma_semaphore, #tpu.memory_space<semaphore_mem>> -> memref<1x1x!tpu.dma_semaphore, #tpu.memory_space<semaphore_mem>>
      %dma_start3A_148 = tpu.memref_squeeze %dma_start3A_147 : memref<1x1x!tpu.dma_semaphore, #tpu.memory_space<semaphore_mem>> -> memref<!tpu.dma_semaphore, #tpu.memory_space<semaphore_mem>>
      %dma_start3A_149 = arith.constant 0 : i32
      %dma_start3A_150 = arith.constant 0 : i32
      %dma_start3A_151 = tpu.memref_slice %arg4[%dma_start3A_143, %dma_start3A_144, %dma_start3A_149, %dma_start3A_150] : memref<6x2x128x1000xf32, #tpu.memory_space<vmem>> -> memref<1x1x128x1000xf32, #tpu.memory_space<vmem>>
      %dma_start3A_152 = tpu.memref_squeeze %dma_start3A_151 : memref<1x1x128x1000xf32, #tpu.memory_space<vmem>> -> memref<128x1000xf32, #tpu.memory_space<vmem>>
      %dma_start3A_153 = arith.constant 384 : i32
      %dma_start3A_154 = arith.constant 0 : i32
      %dma_start3A_155 = tpu.memref_slice %arg1[%dma_start3A_153, %dma_start3A_142, %dma_start3A_154] : memref<4096x10x1000xf32, #tpu.memory_space<any>> -> memref<128x1x1000xf32, #tpu.memory_space<any>>
      %dma_start3A_156 = tpu.memref_squeeze %dma_start3A_155 : memref<128x1x1000xf32, #tpu.memory_space<any>> -> memref<128x1000xf32, #tpu.memory_space<any>>
      tpu.enqueue_dma source(%dma_start3A_156 : memref<128x1000xf32, #tpu.memory_space<any>>) target(%dma_start3A_152 : memref<128x1000xf32, #tpu.memory_space<vmem>>) target_semaphore(%dma_start3A_148 : memref<!tpu.dma_semaphore, #tpu.memory_space<semaphore_mem>>)
      %dma_start3A_157 = arith.constant 1 : i32
      %dma_start3A_158 = arith.constant 3 : i32
      %dma_start3A_159 = arith.constant 1 : i32
      %dma_start3A_160 = arith.constant 3 : i32
      %dma_start3A_161 = arith.constant 1 : i32
      %dma_start3A_162 = tpu.memref_slice %arg5[%dma_start3A_160, %dma_start3A_161] : memref<6x2x!tpu.dma_semaphore, #tpu.memory_space<semaphore_mem>> -> memref<1x1x!tpu.dma_semaphore, #tpu.memory_space<semaphore_mem>>
      %dma_start3A_163 = tpu.memref_squeeze %dma_start3A_162 : memref<1x1x!tpu.dma_semaphore, #tpu.memory_space<semaphore_mem>> -> memref<!tpu.dma_semaphore, #tpu.memory_space<semaphore_mem>>
      %dma_start3A_164 = arith.constant 0 : i32
      %dma_start3A_165 = arith.constant 0 : i32
      %dma_start3A_166 = tpu.memref_slice %arg4[%dma_start3A_158, %dma_start3A_159, %dma_start3A_164, %dma_start3A_165] : memref<6x2x128x1000xf32, #tpu.memory_space<vmem>> -> memref<1x1x128x1000xf32, #tpu.memory_space<vmem>>
      %dma_start3A_167 = tpu.memref_squeeze %dma_start3A_166 : memref<1x1x128x1000xf32, #tpu.memory_space<vmem>> -> memref<128x1000xf32, #tpu.memory_space<vmem>>
      %dma_start3A_168 = arith.constant 384 : i32
      %dma_start3A_169 = arith.constant 0 : i32
      %dma_start3A_170 = tpu.memref_slice %arg1[%dma_start3A_168, %dma_start3A_157, %dma_start3A_169] : memref<4096x10x1000xf32, #tpu.memory_space<any>> -> memref<128x1x1000xf32, #tpu.memory_space<any>>
      %dma_start3A_171 = tpu.memref_squeeze %dma_start3A_170 : memref<128x1x1000xf32, #tpu.memory_space<any>> -> memref<128x1000xf32, #tpu.memory_space<any>>
      tpu.enqueue_dma source(%dma_start3A_171 : memref<128x1000xf32, #tpu.memory_space<any>>) target(%dma_start3A_167 : memref<128x1000xf32, #tpu.memory_space<vmem>>) target_semaphore(%dma_start3A_163 : memref<!tpu.dma_semaphore, #tpu.memory_space<semaphore_mem>>)
      %dma_start3A_172 = arith.constant 0 : i32
      %dma_start3A_173 = arith.constant 4 : i32
      %dma_start3A_174 = arith.constant 0 : i32
      %dma_start3A_175 = arith.constant 4 : i32
      %dma_start3A_176 = arith.constant 0 : i32
      %dma_start3A_177 = tpu.memref_slice %arg5[%dma_start3A_175, %dma_start3A_176] : memref<6x2x!tpu.dma_semaphore, #tpu.memory_space<semaphore_mem>> -> memref<1x1x!tpu.dma_semaphore, #tpu.memory_space<semaphore_mem>>
      %dma_start3A_178 = tpu.memref_squeeze %dma_start3A_177 : memref<1x1x!tpu.dma_semaphore, #tpu.memory_space<semaphore_mem>> -> memref<!tpu.dma_semaphore, #tpu.memory_space<semaphore_mem>>
      %dma_start3A_179 = arith.constant 0 : i32
      %dma_start3A_180 = arith.constant 0 : i32
      %dma_start3A_181 = tpu.memref_slice %arg4[%dma_start3A_173, %dma_start3A_174, %dma_start3A_179, %dma_start3A_180] : memref<6x2x128x1000xf32, #tpu.memory_space<vmem>> -> memref<1x1x128x1000xf32, #tpu.memory_space<vmem>>
      %dma_start3A_182 = tpu.memref_squeeze %dma_start3A_181 : memref<1x1x128x1000xf32, #tpu.memory_space<vmem>> -> memref<128x1000xf32, #tpu.memory_space<vmem>>
      %dma_start3A_183 = arith.constant 512 : i32
      %dma_start3A_184 = arith.constant 0 : i32
      %dma_start3A_185 = tpu.memref_slice %arg1[%dma_start3A_183, %dma_start3A_172, %dma_start3A_184] : memref<4096x10x1000xf32, #tpu.memory_space<any>> -> memref<128x1x1000xf32, #tpu.memory_space<any>>
      %dma_start3A_186 = tpu.memref_squeeze %dma_start3A_185 : memref<128x1x1000xf32, #tpu.memory_space<any>> -> memref<128x1000xf32, #tpu.memory_space<any>>
      tpu.enqueue_dma source(%dma_start3A_186 : memref<128x1000xf32, #tpu.memory_space<any>>) target(%dma_start3A_182 : memref<128x1000xf32, #tpu.memory_space<vmem>>) target_semaphore(%dma_start3A_178 : memref<!tpu.dma_semaphore, #tpu.memory_space<semaphore_mem>>)
      %dma_start3A_187 = arith.constant 1 : i32
      %dma_start3A_188 = arith.constant 4 : i32
      %dma_start3A_189 = arith.constant 1 : i32
      %dma_start3A_190 = arith.constant 4 : i32
      %dma_start3A_191 = arith.constant 1 : i32
      %dma_start3A_192 = tpu.memref_slice %arg5[%dma_start3A_190, %dma_start3A_191] : memref<6x2x!tpu.dma_semaphore, #tpu.memory_space<semaphore_mem>> -> memref<1x1x!tpu.dma_semaphore, #tpu.memory_space<semaphore_mem>>
      %dma_start3A_193 = tpu.memref_squeeze %dma_start3A_192 : memref<1x1x!tpu.dma_semaphore, #tpu.memory_space<semaphore_mem>> -> memref<!tpu.dma_semaphore, #tpu.memory_space<semaphore_mem>>
      %dma_start3A_194 = arith.constant 0 : i32
      %dma_start3A_195 = arith.constant 0 : i32
      %dma_start3A_196 = tpu.memref_slice %arg4[%dma_start3A_188, %dma_start3A_189, %dma_start3A_194, %dma_start3A_195] : memref<6x2x128x1000xf32, #tpu.memory_space<vmem>> -> memref<1x1x128x1000xf32, #tpu.memory_space<vmem>>
      %dma_start3A_197 = tpu.memref_squeeze %dma_start3A_196 : memref<1x1x128x1000xf32, #tpu.memory_space<vmem>> -> memref<128x1000xf32, #tpu.memory_space<vmem>>
      %dma_start3A_198 = arith.constant 512 : i32
      %dma_start3A_199 = arith.constant 0 : i32
      %dma_start3A_200 = tpu.memref_slice %arg1[%dma_start3A_198, %dma_start3A_187, %dma_start3A_199] : memref<4096x10x1000xf32, #tpu.memory_space<any>> -> memref<128x1x1000xf32, #tpu.memory_space<any>>
      %dma_start3A_201 = tpu.memref_squeeze %dma_start3A_200 : memref<128x1x1000xf32, #tpu.memory_space<any>> -> memref<128x1000xf32, #tpu.memory_space<any>>
      tpu.enqueue_dma source(%dma_start3A_201 : memref<128x1000xf32, #tpu.memory_space<any>>) target(%dma_start3A_197 : memref<128x1000xf32, #tpu.memory_space<vmem>>) target_semaphore(%dma_start3A_193 : memref<!tpu.dma_semaphore, #tpu.memory_space<semaphore_mem>>)
      %dma_start3A_202 = arith.constant 0 : i32
      %dma_start3A_203 = arith.constant 5 : i32
      %dma_start3A_204 = arith.constant 0 : i32
      %dma_start3A_205 = arith.constant 5 : i32
      %dma_start3A_206 = arith.constant 0 : i32
      %dma_start3A_207 = tpu.memref_slice %arg5[%dma_start3A_205, %dma_start3A_206] : memref<6x2x!tpu.dma_semaphore, #tpu.memory_space<semaphore_mem>> -> memref<1x1x!tpu.dma_semaphore, #tpu.memory_space<semaphore_mem>>
      %dma_start3A_208 = tpu.memref_squeeze %dma_start3A_207 : memref<1x1x!tpu.dma_semaphore, #tpu.memory_space<semaphore_mem>> -> memref<!tpu.dma_semaphore, #tpu.memory_space<semaphore_mem>>
      %dma_start3A_209 = arith.constant 0 : i32
      %dma_start3A_210 = arith.constant 0 : i32
      %dma_start3A_211 = tpu.memref_slice %arg4[%dma_start3A_203, %dma_start3A_204, %dma_start3A_209, %dma_start3A_210] : memref<6x2x128x1000xf32, #tpu.memory_space<vmem>> -> memref<1x1x128x1000xf32, #tpu.memory_space<vmem>>
      %dma_start3A_212 = tpu.memref_squeeze %dma_start3A_211 : memref<1x1x128x1000xf32, #tpu.memory_space<vmem>> -> memref<128x1000xf32, #tpu.memory_space<vmem>>
      %dma_start3A_213 = arith.constant 640 : i32
      %dma_start3A_214 = arith.constant 0 : i32
      %dma_start3A_215 = tpu.memref_slice %arg1[%dma_start3A_213, %dma_start3A_202, %dma_start3A_214] : memref<4096x10x1000xf32, #tpu.memory_space<any>> -> memref<128x1x1000xf32, #tpu.memory_space<any>>
      %dma_start3A_216 = tpu.memref_squeeze %dma_start3A_215 : memref<128x1x1000xf32, #tpu.memory_space<any>> -> memref<128x1000xf32, #tpu.memory_space<any>>
      tpu.enqueue_dma source(%dma_start3A_216 : memref<128x1000xf32, #tpu.memory_space<any>>) target(%dma_start3A_212 : memref<128x1000xf32, #tpu.memory_space<vmem>>) target_semaphore(%dma_start3A_208 : memref<!tpu.dma_semaphore, #tpu.memory_space<semaphore_mem>>)
      %dma_start3A_217 = arith.constant 1 : i32
      %dma_start3A_218 = arith.constant 5 : i32
      %dma_start3A_219 = arith.constant 1 : i32
      %dma_start3A_220 = arith.constant 5 : i32
      %dma_start3A_221 = arith.constant 1 : i32
      %dma_start3A_222 = tpu.memref_slice %arg5[%dma_start3A_220, %dma_start3A_221] : memref<6x2x!tpu.dma_semaphore, #tpu.memory_space<semaphore_mem>> -> memref<1x1x!tpu.dma_semaphore, #tpu.memory_space<semaphore_mem>>
      %dma_start3A_223 = tpu.memref_squeeze %dma_start3A_222 : memref<1x1x!tpu.dma_semaphore, #tpu.memory_space<semaphore_mem>> -> memref<!tpu.dma_semaphore, #tpu.memory_space<semaphore_mem>>
      %dma_start3A_224 = arith.constant 0 : i32
      %dma_start3A_225 = arith.constant 0 : i32
      %dma_start3A_226 = tpu.memref_slice %arg4[%dma_start3A_218, %dma_start3A_219, %dma_start3A_224, %dma_start3A_225] : memref<6x2x128x1000xf32, #tpu.memory_space<vmem>> -> memref<1x1x128x1000xf32, #tpu.memory_space<vmem>>
      %dma_start3A_227 = tpu.memref_squeeze %dma_start3A_226 : memref<1x1x128x1000xf32, #tpu.memory_space<vmem>> -> memref<128x1000xf32, #tpu.memory_space<vmem>>
      %dma_start3A_228 = arith.constant 640 : i32
      %dma_start3A_229 = arith.constant 0 : i32
      %dma_start3A_230 = tpu.memref_slice %arg1[%dma_start3A_228, %dma_start3A_217, %dma_start3A_229] : memref<4096x10x1000xf32, #tpu.memory_space<any>> -> memref<128x1x1000xf32, #tpu.memory_space<any>>
      %dma_start3A_231 = tpu.memref_squeeze %dma_start3A_230 : memref<128x1x1000xf32, #tpu.memory_space<any>> -> memref<128x1000xf32, #tpu.memory_space<any>>
      tpu.enqueue_dma source(%dma_start3A_231 : memref<128x1000xf32, #tpu.memory_space<any>>) target(%dma_start3A_227 : memref<128x1000xf32, #tpu.memory_space<vmem>>) target_semaphore(%dma_start3A_223 : memref<!tpu.dma_semaphore, #tpu.memory_space<semaphore_mem>>)
    } else {
    }
    %rem3A = arith.constant 6 : i32
    %rem3A_2 = arith.remsi %arg0, %rem3A : i32
    %mul3A = arith.constant 128 : i32
    %mul3A_3 = arith.muli %arg0, %mul3A : i32
    %dma_wait3A = arith.constant 0 : i32
    %dma_wait3A_4 = arith.constant 0 : i32
    %dma_wait3A_5 = arith.constant 0 : i32
    %dma_wait3A_6 = tpu.memref_slice %arg5[%rem3A_2, %dma_wait3A_5] : memref<6x2x!tpu.dma_semaphore, #tpu.memory_space<semaphore_mem>> -> memref<1x1x!tpu.dma_semaphore, #tpu.memory_space<semaphore_mem>>
    %dma_wait3A_7 = tpu.memref_squeeze %dma_wait3A_6 : memref<1x1x!tpu.dma_semaphore, #tpu.memory_space<semaphore_mem>> -> memref<!tpu.dma_semaphore, #tpu.memory_space<semaphore_mem>>
    %dma_wait3A_8 = arith.constant 0 : i32
    %dma_wait3A_9 = arith.constant 0 : i32
    %dma_wait3A_10 = tpu.memref_slice %arg4[%rem3A_2, %dma_wait3A_4, %dma_wait3A_8, %dma_wait3A_9] : memref<6x2x128x1000xf32, #tpu.memory_space<vmem>> -> memref<1x1x128x1000xf32, #tpu.memory_space<vmem>>
    %dma_wait3A_11 = tpu.memref_squeeze %dma_wait3A_10 : memref<1x1x128x1000xf32, #tpu.memory_space<vmem>> -> memref<128x1000xf32, #tpu.memory_space<vmem>>
    %dma_wait3A_12 = arith.constant 0 : i32
    %dma_wait3A_13 = tpu.memref_slice %arg1[%mul3A_3, %dma_wait3A, %dma_wait3A_12] : memref<4096x10x1000xf32, #tpu.memory_space<any>> -> memref<128x1x1000xf32, #tpu.memory_space<any>>
    %dma_wait3A_14 = tpu.memref_squeeze %dma_wait3A_13 : memref<128x1x1000xf32, #tpu.memory_space<any>> -> memref<128x1000xf32, #tpu.memory_space<any>>
    tpu.wait_dma2 semaphore(%dma_wait3A_7 : memref<!tpu.dma_semaphore, #tpu.memory_space<semaphore_mem>>) src(%dma_wait3A_14 : memref<128x1000xf32, #tpu.memory_space<any>>) dst(%dma_wait3A_11 : memref<128x1000xf32, #tpu.memory_space<vmem>>)
    %mul3A_15 = arith.constant 128 : i32
    %mul3A_16 = arith.muli %arg0, %mul3A_15 : i32
    %dma_wait3A_17 = arith.constant 1 : i32
    %dma_wait3A_18 = arith.constant 1 : i32
    %dma_wait3A_19 = arith.constant 1 : i32
    %dma_wait3A_20 = tpu.memref_slice %arg5[%rem3A_2, %dma_wait3A_19] : memref<6x2x!tpu.dma_semaphore, #tpu.memory_space<semaphore_mem>> -> memref<1x1x!tpu.dma_semaphore, #tpu.memory_space<semaphore_mem>>
    %dma_wait3A_21 = tpu.memref_squeeze %dma_wait3A_20 : memref<1x1x!tpu.dma_semaphore, #tpu.memory_space<semaphore_mem>> -> memref<!tpu.dma_semaphore, #tpu.memory_space<semaphore_mem>>
    %dma_wait3A_22 = arith.constant 0 : i32
    %dma_wait3A_23 = arith.constant 0 : i32
    %dma_wait3A_24 = tpu.memref_slice %arg4[%rem3A_2, %dma_wait3A_18, %dma_wait3A_22, %dma_wait3A_23] : memref<6x2x128x1000xf32, #tpu.memory_space<vmem>> -> memref<1x1x128x1000xf32, #tpu.memory_space<vmem>>
    %dma_wait3A_25 = tpu.memref_squeeze %dma_wait3A_24 : memref<1x1x128x1000xf32, #tpu.memory_space<vmem>> -> memref<128x1000xf32, #tpu.memory_space<vmem>>
    %dma_wait3A_26 = arith.constant 0 : i32
    %dma_wait3A_27 = tpu.memref_slice %arg1[%mul3A_16, %dma_wait3A_17, %dma_wait3A_26] : memref<4096x10x1000xf32, #tpu.memory_space<any>> -> memref<128x1x1000xf32, #tpu.memory_space<any>>
    %dma_wait3A_28 = tpu.memref_squeeze %dma_wait3A_27 : memref<128x1x1000xf32, #tpu.memory_space<any>> -> memref<128x1000xf32, #tpu.memory_space<any>>
    tpu.wait_dma2 semaphore(%dma_wait3A_21 : memref<!tpu.dma_semaphore, #tpu.memory_space<semaphore_mem>>) src(%dma_wait3A_28 : memref<128x1000xf32, #tpu.memory_space<any>>) dst(%dma_wait3A_25 : memref<128x1000xf32, #tpu.memory_space<vmem>>)
    %get3A = arith.index_cast %rem3A_2 : i32 to index
    %get3A_29 = arith.constant 0 : index
    %get3A_30 = arith.constant 0 : index
    %get3A_31 = arith.constant 0 : index
    %get3A_32 = vector.load %arg4[%get3A, %get3A_29, %get3A_30, %get3A_31] : memref<6x2x128x1000xf32, #tpu.memory_space<vmem>>, vector<1x1x128x1000xf32>
    %get3A_33 = vector.shape_cast %get3A_32 : vector<1x1x128x1000xf32> to vector<128x1000xf32>
    %argmax3A = tpu.reduce_index %get3A_33 {axis = 1 : i32, kind = #tpu.reduction_kind<arg_max>} : vector<128x1000xf32> -> vector<128xi32>
    %mul3A_34 = arith.constant 128 : i32
    %mul3A_35 = arith.muli %arg0, %mul3A_34 : i32
    %swap3A = arith.index_cast %mul3A_35 : i32 to index
    %swap3A_36 = vector.load %arg2[%swap3A] : memref<4096xi32, #tpu.memory_space<vmem>>, vector<128xi32>
    tpu.vector_store %arg2[%swap3A], %argmax3A {strides = array<i32>} : memref<4096xi32, #tpu.memory_space<vmem>>, vector<128xi32>,
    %get3A_37 = arith.index_cast %rem3A_2 : i32 to index
    %get3A_38 = arith.constant 1 : index
    %get3A_39 = arith.constant 0 : index
    %get3A_40 = arith.constant 0 : index
    %get3A_41 = vector.load %arg4[%get3A_37, %get3A_38, %get3A_39, %get3A_40] : memref<6x2x128x1000xf32, #tpu.memory_space<vmem>>, vector<1x1x128x1000xf32>
    %get3A_42 = vector.shape_cast %get3A_41 : vector<1x1x128x1000xf32> to vector<128x1000xf32>
    %argmax3A_43 = tpu.reduce_index %get3A_42 {axis = 1 : i32, kind = #tpu.reduction_kind<arg_max>} : vector<128x1000xf32> -> vector<128xi32>
    %mul3A_44 = arith.constant 128 : i32
    %mul3A_45 = arith.muli %arg0, %mul3A_44 : i32
    %swap3A_46 = arith.index_cast %mul3A_45 : i32 to index
    %swap3A_47 = vector.load %arg3[%swap3A_46] : memref<4096xi32, #tpu.memory_space<vmem>>, vector<128xi32>
    tpu.vector_store %arg3[%swap3A_46], %argmax3A_43 {strides = array<i32>} : memref<4096xi32, #tpu.memory_space<vmem>>, vector<128xi32>,
    %add3A = arith.constant 6 : i32
    %add3A_48 = arith.addi %arg0, %add3A : i32
    %lt3A = arith.constant 32 : i32
    %lt3A_49 = arith.cmpi slt, %add3A_48, %lt3A : i32
    %convert_element_type3A_50 = arith.extui %lt3A_49 : i1 to i32
    %cond3A_51 = arith.constant 0 : i32
    %cond3A_52 = arith.cmpi ne, %convert_element_type3A_50, %cond3A_51 : i32
    scf.if %cond3A_52 {
      %mul3A_53 = arith.constant 128 : i32
      %mul3A_54 = arith.muli %add3A_48, %mul3A_53 : i32
      %dma_start3A = arith.constant 0 : i32
      %dma_start3A_55 = arith.constant 0 : i32
      %dma_start3A_56 = arith.constant 0 : i32
      %dma_start3A_57 = tpu.memref_slice %arg5[%rem3A_2, %dma_start3A_56] : memref<6x2x!tpu.dma_semaphore, #tpu.memory_space<semaphore_mem>> -> memref<1x1x!tpu.dma_semaphore, #tpu.memory_space<semaphore_mem>>
      %dma_start3A_58 = tpu.memref_squeeze %dma_start3A_57 : memref<1x1x!tpu.dma_semaphore, #tpu.memory_space<semaphore_mem>> -> memref<!tpu.dma_semaphore, #tpu.memory_space<semaphore_mem>>
      %dma_start3A_59 = arith.constant 0 : i32
      %dma_start3A_60 = arith.constant 0 : i32
      %dma_start3A_61 = tpu.memref_slice %arg4[%rem3A_2, %dma_start3A_55, %dma_start3A_59, %dma_start3A_60] : memref<6x2x128x1000xf32, #tpu.memory_space<vmem>> -> memref<1x1x128x1000xf32, #tpu.memory_space<vmem>>
      %dma_start3A_62 = tpu.memref_squeeze %dma_start3A_61 : memref<1x1x128x1000xf32, #tpu.memory_space<vmem>> -> memref<128x1000xf32, #tpu.memory_space<vmem>>
      %dma_start3A_63 = arith.constant 0 : i32
      %dma_start3A_64 = tpu.memref_slice %arg1[%mul3A_54, %dma_start3A, %dma_start3A_63] : memref<4096x10x1000xf32, #tpu.memory_space<any>> -> memref<128x1x1000xf32, #tpu.memory_space<any>>
      %dma_start3A_65 = tpu.memref_squeeze %dma_start3A_64 : memref<128x1x1000xf32, #tpu.memory_space<any>> -> memref<128x1000xf32, #tpu.memory_space<any>>
      tpu.enqueue_dma source(%dma_start3A_65 : memref<128x1000xf32, #tpu.memory_space<any>>) target(%dma_start3A_62 : memref<128x1000xf32, #tpu.memory_space<vmem>>) target_semaphore(%dma_start3A_58 : memref<!tpu.dma_semaphore, #tpu.memory_space<semaphore_mem>>)
      %mul3A_66 = arith.constant 128 : i32
      %mul3A_67 = arith.muli %add3A_48, %mul3A_66 : i32
      %dma_start3A_68 = arith.constant 1 : i32
      %dma_start3A_69 = arith.constant 1 : i32
      %dma_start3A_70 = arith.constant 1 : i32
      %dma_start3A_71 = tpu.memref_slice %arg5[%rem3A_2, %dma_start3A_70] : memref<6x2x!tpu.dma_semaphore, #tpu.memory_space<semaphore_mem>> -> memref<1x1x!tpu.dma_semaphore, #tpu.memory_space<semaphore_mem>>
      %dma_start3A_72 = tpu.memref_squeeze %dma_start3A_71 : memref<1x1x!tpu.dma_semaphore, #tpu.memory_space<semaphore_mem>> -> memref<!tpu.dma_semaphore, #tpu.memory_space<semaphore_mem>>
      %dma_start3A_73 = arith.constant 0 : i32
      %dma_start3A_74 = arith.constant 0 : i32
      %dma_start3A_75 = tpu.memref_slice %arg4[%rem3A_2, %dma_start3A_69, %dma_start3A_73, %dma_start3A_74] : memref<6x2x128x1000xf32, #tpu.memory_space<vmem>> -> memref<1x1x128x1000xf32, #tpu.memory_space<vmem>>
      %dma_start3A_76 = tpu.memref_squeeze %dma_start3A_75 : memref<1x1x128x1000xf32, #tpu.memory_space<vmem>> -> memref<128x1000xf32, #tpu.memory_space<vmem>>
      %dma_start3A_77 = arith.constant 0 : i32
      %dma_start3A_78 = tpu.memref_slice %arg1[%mul3A_67, %dma_start3A_68, %dma_start3A_77] : memref<4096x10x1000xf32, #tpu.memory_space<any>> -> memref<128x1x1000xf32, #tpu.memory_space<any>>
      %dma_start3A_79 = tpu.memref_squeeze %dma_start3A_78 : memref<128x1x1000xf32, #tpu.memory_space<any>> -> memref<128x1000xf32, #tpu.memory_space<any>>
      tpu.enqueue_dma source(%dma_start3A_79 : memref<128x1000xf32, #tpu.memory_space<any>>) target(%dma_start3A_76 : memref<128x1000xf32, #tpu.memory_space<vmem>>) target_semaphore(%dma_start3A_72 : memref<!tpu.dma_semaphore, #tpu.memory_space<semaphore_mem>>)
    } else {
    }
    return
  }
  func.func @transform_1(%arg0: i32) -> i32 {
    %c0_i32 = arith.constant 0 : i32
    %c0_i32_0 = arith.constant 0 : i32
    return %c0_i32 : i32
  }
  func.func @transform_2(%arg0: i32) -> i32 {
    %c0_i32 = arith.constant 0 : i32
    %c0_i32_0 = arith.constant 0 : i32
    return %c0_i32 : i32
  }
}

module attributes {stable_mosaic.version = 14 : i64} {
  func.func @_tables_body(%arg0: memref<1000xf32, #tpu.memory_space<vmem>>, %arg1: memref<1000x1000xf32, #tpu.memory_space<vmem>>, %arg2: memref<1000xf32, #tpu.memory_space<vmem>>, %arg3: memref<1000x1000xf32, #tpu.memory_space<vmem>>, %arg4: memref<2x1000xf32, #tpu.memory_space<vmem>>, %arg5: memref<2xf32, #tpu.memory_space<smem>>) attributes {dimension_semantics = [], scalar_prefetch = 0 : i64, scratch_operands = 0 : i64, tpu.core_type = #tpu.core_type<tc>} {
    %get3A = arith.constant 0 : index
    %get3A_0 = arith.constant 0 : index
    %get3A_1 = vector.load %arg1[%get3A, %get3A_0] : memref<1000x1000xf32, #tpu.memory_space<vmem>>, vector<1000x1000xf32>
    %reduce_max3A = arith.constant dense<0xFF800000> : vector<1000xf32>
    %reduce_max3A_2 = vector.multi_reduction <maximumf>, %get3A_1, %reduce_max3A [0] : vector<1000x1000xf32> to vector<1000xf32>
    %broadcast_in_dim3A = vector.shape_cast %reduce_max3A_2 : vector<1000xf32> to vector<1x1000xf32>
    %sub3A = vector.broadcast %broadcast_in_dim3A : vector<1x1000xf32> to vector<1000x1000xf32>
    %sub3A_3 = arith.subf %get3A_1, %sub3A : vector<1000x1000xf32>
    %exp3A = math.exp %sub3A_3 : vector<1000x1000xf32>
    %reduce_sum3A = arith.constant dense<0.000000e+00> : vector<1000xf32>
    %reduce_sum3A_4 = vector.multi_reduction <add>, %exp3A, %reduce_sum3A [0] : vector<1000x1000xf32> to vector<1000xf32>
    %log3A = math.log %reduce_sum3A_4 : vector<1000xf32>
    %add3A = arith.addf %log3A, %reduce_max3A_2 : vector<1000xf32>
    %swap3A = arith.constant 0 : index
    %swap3A_5 = arith.constant 0 : index
    %swap3A_6 = vector.load %arg4[%swap3A, %swap3A_5] : memref<2x1000xf32, #tpu.memory_space<vmem>>, vector<1x1000xf32>
    %swap3A_7 = vector.shape_cast %swap3A_6 : vector<1x1000xf32> to vector<1000xf32>
    %swap3A_8 = vector.shape_cast %add3A : vector<1000xf32> to vector<1x1000xf32>
    tpu.vector_store %arg4[%swap3A, %swap3A_5], %swap3A_8 {strides = array<i32>} : memref<2x1000xf32, #tpu.memory_space<vmem>>, vector<1x1000xf32>,
    %get3A_9 = arith.constant 0 : index
    %get3A_10 = vector.load %arg0[%get3A_9] : memref<1000xf32, #tpu.memory_space<vmem>>, vector<1000xf32>
    %reduce_max3A_11 = vector.shape_cast %get3A_10 : vector<1000xf32> to vector<1x1000xf32>
    %reduce_max3A_12 = arith.constant dense<0xFF800000> : vector<1xf32>
    %reduce_max3A_13 = vector.multi_reduction <maximumf>, %reduce_max3A_11, %reduce_max3A_12 [1] : vector<1x1000xf32> to vector<1xf32>
    %reduce_max3A_14 = vector.shape_cast %reduce_max3A_13 : vector<1xf32> to vector<1x1xf32>
    %reduce_max3A_15 = vector.extract %reduce_max3A_14[0, 0] : f32 from vector<1x1xf32>
    %sub3A_16 = vector.broadcast %reduce_max3A_15 : f32 to vector<1000xf32>
    %sub3A_17 = arith.subf %get3A_10, %sub3A_16 : vector<1000xf32>
    %exp3A_18 = math.exp %sub3A_17 : vector<1000xf32>
    %reduce_sum3A_19 = vector.shape_cast %exp3A_18 : vector<1000xf32> to vector<1x1000xf32>
    %reduce_sum3A_20 = arith.constant dense<0.000000e+00> : vector<1xf32>
    %reduce_sum3A_21 = vector.multi_reduction <add>, %reduce_sum3A_19, %reduce_sum3A_20 [1] : vector<1x1000xf32> to vector<1xf32>
    %reduce_sum3A_22 = vector.shape_cast %reduce_sum3A_21 : vector<1xf32> to vector<1x1xf32>
    %reduce_sum3A_23 = vector.extract %reduce_sum3A_22[0, 0] : f32 from vector<1x1xf32>
    %log3A_24 = math.log %reduce_sum3A_23 : f32
    %add3A_25 = arith.addf %log3A_24, %reduce_max3A_15 : f32
    %swap3A_26 = arith.constant 0 : index
    %swap3A_27 = memref.load %arg5[%swap3A_26] : memref<2xf32, #tpu.memory_space<smem>>
    memref.store %add3A_25, %arg5[%swap3A_26] : memref<2xf32, #tpu.memory_space<smem>>
    %get3A_28 = arith.constant 0 : index
    %get3A_29 = arith.constant 0 : index
    %get3A_30 = vector.load %arg3[%get3A_28, %get3A_29] : memref<1000x1000xf32, #tpu.memory_space<vmem>>, vector<1000x1000xf32>
    %reduce_max3A_31 = arith.constant dense<0xFF800000> : vector<1000xf32>
    %reduce_max3A_32 = vector.multi_reduction <maximumf>, %get3A_30, %reduce_max3A_31 [0] : vector<1000x1000xf32> to vector<1000xf32>
    %broadcast_in_dim3A_33 = vector.shape_cast %reduce_max3A_32 : vector<1000xf32> to vector<1x1000xf32>
    %sub3A_34 = vector.broadcast %broadcast_in_dim3A_33 : vector<1x1000xf32> to vector<1000x1000xf32>
    %sub3A_35 = arith.subf %get3A_30, %sub3A_34 : vector<1000x1000xf32>
    %exp3A_36 = math.exp %sub3A_35 : vector<1000x1000xf32>
    %reduce_sum3A_37 = arith.constant dense<0.000000e+00> : vector<1000xf32>
    %reduce_sum3A_38 = vector.multi_reduction <add>, %exp3A_36, %reduce_sum3A_37 [0] : vector<1000x1000xf32> to vector<1000xf32>
    %log3A_39 = math.log %reduce_sum3A_38 : vector<1000xf32>
    %add3A_40 = arith.addf %log3A_39, %reduce_max3A_32 : vector<1000xf32>
    %swap3A_41 = arith.constant 1 : index
    %swap3A_42 = arith.constant 0 : index
    %swap3A_43 = vector.load %arg4[%swap3A_41, %swap3A_42] : memref<2x1000xf32, #tpu.memory_space<vmem>>, vector<1x1000xf32>
    %swap3A_44 = vector.shape_cast %swap3A_43 : vector<1x1000xf32> to vector<1000xf32>
    %swap3A_45 = vector.shape_cast %add3A_40 : vector<1000xf32> to vector<1x1000xf32>
    tpu.vector_store %arg4[%swap3A_41, %swap3A_42], %swap3A_45 {strides = array<i32>} : memref<2x1000xf32, #tpu.memory_space<vmem>>, vector<1x1000xf32>,
    %get3A_46 = arith.constant 0 : index
    %get3A_47 = vector.load %arg2[%get3A_46] : memref<1000xf32, #tpu.memory_space<vmem>>, vector<1000xf32>
    %reduce_max3A_48 = vector.shape_cast %get3A_47 : vector<1000xf32> to vector<1x1000xf32>
    %reduce_max3A_49 = arith.constant dense<0xFF800000> : vector<1xf32>
    %reduce_max3A_50 = vector.multi_reduction <maximumf>, %reduce_max3A_48, %reduce_max3A_49 [1] : vector<1x1000xf32> to vector<1xf32>
    %reduce_max3A_51 = vector.shape_cast %reduce_max3A_50 : vector<1xf32> to vector<1x1xf32>
    %reduce_max3A_52 = vector.extract %reduce_max3A_51[0, 0] : f32 from vector<1x1xf32>
    %sub3A_53 = vector.broadcast %reduce_max3A_52 : f32 to vector<1000xf32>
    %sub3A_54 = arith.subf %get3A_47, %sub3A_53 : vector<1000xf32>
    %exp3A_55 = math.exp %sub3A_54 : vector<1000xf32>
    %reduce_sum3A_56 = vector.shape_cast %exp3A_55 : vector<1000xf32> to vector<1x1000xf32>
    %reduce_sum3A_57 = arith.constant dense<0.000000e+00> : vector<1xf32>
    %reduce_sum3A_58 = vector.multi_reduction <add>, %reduce_sum3A_56, %reduce_sum3A_57 [1] : vector<1x1000xf32> to vector<1xf32>
    %reduce_sum3A_59 = vector.shape_cast %reduce_sum3A_58 : vector<1xf32> to vector<1x1xf32>
    %reduce_sum3A_60 = vector.extract %reduce_sum3A_59[0, 0] : f32 from vector<1x1xf32>
    %log3A_61 = math.log %reduce_sum3A_60 : f32
    %add3A_62 = arith.addf %log3A_61, %reduce_max3A_52 : f32
    %swap3A_63 = arith.constant 1 : index
    %swap3A_64 = memref.load %arg5[%swap3A_63] : memref<2xf32, #tpu.memory_space<smem>>
    memref.store %add3A_62, %arg5[%swap3A_63] : memref<2xf32, #tpu.memory_space<smem>>
    return
  }
}

</mosaic_0001>

<sc_bundles>
// kernel: kernel.5.cloned.1.call-start
scs
__scs_entry_jumppad:
0x0: {  	(pc) =	sbr.rel $0x88, $3  }
0x1: {  	(tag) =	ssettag $0x0;
	lr =	simm.s32 $0x1  }
0x2: {  	[smem:$0x3F9B] =	sst lr;
	_ =	strace $0xD0000000  }
0x3: {  	_ = 	snop  }
0x4: {  	_ = 	snop  }
0x5: {  	_ = 	snop  }
0x6: {  	_ = 	snop  }
0x7: {  	_ = 	snop  }
__scs_overlays_trampoline_lowered:
0x8: {  	[smem:$0x3FAA] =	sst s0  }
0x9: {  	[smem:$0x3FAB] =	sst s1  }
0xa: {  	[smem:$0x3FAC] =	sst s2  }
0xb: {  	[smem:$0x3FAD] =	sst s3  }
0xc: {  	[smem:$0x3FAE] =	sst s4  }
0xd: {  	[smem:$0x3FAF] =	sst s5  }
0xe: {  	[smem:$0x3FB0] =	sst s6  }
0xf: {  	[smem:$0x3FB1] =	sst s7  }
0x10: {  	[smem:$0x3FB2] =	sst s8  }
0x11: {  	[smem:$0x3FB3] =	sst s9;
	s0 =	simm.s32 @!p0 $0x0  }
0x12: {  	s1 =	sld [smem:$0x3F99];
	s0 =	simm.s32 @p0 $0x1  }
0x13: {  	[smem:$0x3FB4] =	sst s0;
	s0 =	simm.s32 @!p1 $0x0  }
0x14: {  	s2 =	sld [smem:$0x3F98];
	s0 =	simm.s32 @p1 $0x1  }
0x15: {  	[smem:$0x3FB5] =	sst s0;
	s0 =	simm.s32 @!p2 $0x0  }
0x16: {  	s3 =	sld [smem:$0x3FDB];
	s0 =	simm.s32 @p2 $0x1  }
0x17: {  	s4 =	simm.s32 $0x1BF5;
	[smem:$0x3FB7] =	sst s0  }
0x18: {  	s0 =	sld [smem:$0x3F9A];
	_ =	swait.ge [sflag:s4], $0x0  }
0x19: {  	s7 =	sld [smem:$0x3F9B]  }
0x1a: {  	s8 =	sadd.s32 $0xFFFFE003, lr  }
0x1b: {  	s9 =	sadd.s32 $0xFFFFFEF7, lr;
	s5 =	simm.s32 $0xFFFFFFFF;
	p2 =	slt.u32 s8, $0xFFFFF086  }
0x1c: {  	p1 =	slt.u32 s9, $0xF7A;
	s5 =	simm.s32 @!p2 $0x0  }
0x1d: {  	s5 =	simm.s32 @p1 $0x1;
	p0 =	seq.s32 s7, s2  }
0x1e: {  	s7 =	smul.u32 @!p0 $0xF7A, s2;
	p2 =	seq.s32 @!p0 s5, $0x0  }
0x1f: {  	s9 =	smul.u32 $0xF7A, s1;
	s8 =	simm.s32 @!p0 $0x1BF5;
	p2 =	por !p2, p0  }
0x20: {  	[sflag:s8] =	ssyncset.s32 @!p0 $0xFFFFF086;
	s6 =	sadd.s32 @!p0 s3, s7;
	s7 =	simm.s32 @!p0 $0x108  }
0x21: {  	s3 =	sadd.s32 s3, s9;
	s6 =	sadd.s32 @!p0 $0x88, s6;
	s7 =	simm.s32 @p2 $0x1082  }
0x22: {  	[simem:s7], [sflag:s8] =	dma.local @!p0 [hbm:s6], $0xF7A  }
0x23: {  	s9 =	sor.u32 $0xD0000000, s2;
	s6 =	simm.s32 $0x108;
	_ =	swait.ge @!p0 [sflag:s8], $0x0  }
0x24: {  	s3 =	sadd.s32 $0x88, s3;
	s6 =	simm.s32 @!p1 $0x1082;
	[sflag:s4] =	ssyncset.s32 $0xFFFFF086  }
0x25: {  	[simem:s6], [sflag:s4] =	dma.local [hbm:s3], $0xF7A  }
0x26: {  	[smem:$0x3F9B] =	sst s1;
	(tag) =	ssettag s2;
	_ =	strace s9  }
0x27: {  	s1 =	sld [smem:$0x3FAB]  }
0x28: {  	s2 =	sld [smem:$0x3FAC]  }
0x29: {  	s4 =	sld [smem:$0x3FAE]  }
0x2a: {  	p0 =	seq.s32 s5, $0x0;
	s5 =	sld [smem:$0x3FAF]  }
0x2b: {  	s6 =	sld [smem:$0x3FB0]  }
0x2c: {  	s7 =	sld [smem:$0x3FB1]  }
0x2d: {  	s3 =	simm.s32 $0x108;
	s8 =	sld [smem:$0x3FB2]  }
0x2e: {  	s3 =	simm.s32 @!p0 $0x1082;
	s9 =	sld [smem:$0x3FB3]  }
0x2f: {  	lr =	sadd.s32 s0, s3;
	s0 =	sld [smem:$0x3FAA]  }
0x30: {  	s3 =	sld [smem:$0x3FAD]  }
0x31: {  	[smem:$0x3FB6] =	sst s10  }
0x32: {  	s10 =	sld [smem:$0x3FB4];
	_ =	sdelay $0x3  }
0x33: {  	p0 =	seq.s32 s10, $0x1;
	s10 =	sld [smem:$0x3FB6];
	_ =	sdelay $0x3  }
0x34: {  	[smem:$0x3FB6] =	sst s10  }
0x35: {  	s10 =	sld [smem:$0x3FB5];
	_ =	sdelay $0x3  }
0x36: {  	p1 =	seq.s32 s10, $0x1;
	s10 =	sld [smem:$0x3FB6];
	_ =	sdelay $0x3  }
0x37: {  	[smem:$0x3FB6] =	sst s10  }
0x38: {  	s10 =	sld [smem:$0x3FB7]  }
0x39: {  	_ = 	snop;
	(pc) =	sbr.ind lr, $3  }
0x3a: {  	_ = 	snop  }
0x3b: {  	_ = 	snop  }
0x3c: {  	p2 =	seq.s32 s10, $0x1;
	s10 =	sld [smem:$0x3FB6]  }
0x3d: {  	_ =	shalt  }
0x3e: {  	_ =	shalt  }
0x3f: {  	_ =	shalt  }
0x40: {  	_ =	shalt  }
0x41: {  	_ =	shalt  }
0x42: {  	_ =	shalt  }
0x43: {  	_ =	shalt  }
0x44: {  	_ =	shalt  }
0x45: {  	_ =	shalt  }
0x46: {  	_ =	shalt  }
0x47: {  	_ =	shalt  }
0x48: {  	_ =	shalt  }
0x49: {  	_ =	shalt  }
0x4a: {  	_ =	shalt  }
0x4b: {  	_ =	shalt  }
0x4c: {  	_ =	shalt  }
0x4d: {  	_ =	shalt  }
0x4e: {  	_ =	shalt  }
0x4f: {  	_ =	shalt  }
0x50: {  	_ =	shalt  }
0x51: {  	_ =	shalt  }
0x52: {  	_ =	shalt  }
0x53: {  	_ =	shalt  }
0x54: {  	_ =	shalt  }
0x55: {  	_ =	shalt  }
0x56: {  	_ =	shalt  }
0x57: {  	_ =	shalt  }
0x58: {  	_ =	shalt  }
0x59: {  	_ =	shalt  }
0x5a: {  	_ =	shalt  }
0x5b: {  	_ =	shalt  }
0x5c: {  	_ =	shalt  }
0x5d: {  	_ =	shalt  }
0x5e: {  	_ =	shalt  }
0x5f: {  	_ =	shalt  }
0x60: {  	_ =	shalt  }
0x61: {  	_ =	shalt  }
0x62: {  	_ =	shalt  }
0x63: {  	_ =	shalt  }
0x64: {  	_ =	shalt  }
0x65: {  	_ =	shalt  }
0x66: {  	_ =	shalt  }
0x67: {  	_ =	shalt  }
0x68: {  	_ =	shalt  }
0x69: {  	_ =	shalt  }
0x6a: {  	_ =	shalt  }
0x6b: {  	_ =	shalt  }
0x6c: {  	_ =	shalt  }
0x6d: {  	_ =	shalt  }
0x6e: {  	_ =	shalt  }
0x6f: {  	_ =	shalt  }
0x70: {  	_ =	shalt  }
0x71: {  	_ =	shalt  }
0x72: {  	_ =	shalt  }
0x73: {  	_ =	shalt  }
0x74: {  	_ =	shalt  }
0x75: {  	_ =	shalt  }
0x76: {  	_ =	shalt  }
0x77: {  	_ =	shalt  }
0x78: {  	_ =	shalt  }
0x79: {  	_ =	shalt  }
0x7a: {  	_ =	shalt  }
0x7b: {  	_ =	shalt  }
0x7c: {  	_ =	shalt  }
0x7d: {  	_ =	shalt  }
0x7e: {  	_ =	shalt  }
0x7f: {  	_ =	shalt  }
0x80: {  	_ =	shalt  }
0x81: {  	_ =	shalt  }
0x82: {  	_ =	shalt  }
0x83: {  	_ =	shalt  }
0x84: {  	_ =	shalt  }
0x85: {  	_ =	shalt  }
0x86: {  	_ =	shalt  }
0x87: {  	_ =	shalt  }
.Lfunc_end0:
.L_simem_size_0:
called_computation_lowered:
.L_overlay_start_0:
0x88: {  	s2 =	sld [smem:$0x3FD9]  }
0x89: {  	s3 =	sld [smem:$0x3FFE];
	_ =	sdelay $0x1  }
0x8a: {  	s1 =	srdreg.scid  }
0x8b: {  	s0 =	sand.u32 $0x1, s1  }
0x8c: {  	s17 =	sshll.u32 s0, $0xA;
	s2 =	sadd.s32 s3, s2  }
0x8d: {  	s2 =	sadd.s32 s2, s17  }
0x8e: {  	[smem:$0x3FC2] =	sst s2  }
0x8f: {  	_ = 	snop  }
0x90: {  	s2 =	sld [smem:$0x3FC8]  }
0x91: {  	s18 =	sld [smem:$0x3FC6];
	(tm) =	ssettm $0x1  }
0x92: {  	s4 =	sld [smem:$0x3FFB];
	_ =	sdelay $0x3  }
0x93: {  	_ =	strace s4  }
0x94: {  	s4 =	sld [smem:$0x3FFC];
	_ =	sdelay $0x3  }
0x95: {  	_ =	strace s4  }
0x96: {  	s4 =	sld [smem:$0x3FFD];
	_ =	sdelay $0x3  }
0x97: {  	_ =	strace s4  }
0x98: {  	_ =	strace $0x8FFFFFFF  }
0x99: {  	s19 =	sld [smem:$0x3FDB];
	_ =	sdelay $0x1  }
0x9a: {  	s5 =	simm.s32 $_scs_section_size  }
0x9b: {  	s6 =	simm.s32 $_size__tile_overlayer_lowered;
	s7 =	simm.s32 $_tile_overlayer_lowered  }
0x9c: {  	s22 =	simm.s32 $0x1BFF;
	s21 =	sshll.u32 s7, $0x1;
	s4 =	sadd.s32 s5, s19  }
0x9d: {  	s8 =	simm.s32 $0x0;
	s20 =	sshll.u32 s6, $0x1;
	s6 =	sadd.s32 s21, s4  }
0x9e: {  	[timem:s8], [sflag:s22] =	dma.local [hbm:s6], s20  }
0x9f: {  	_ =	swait.ge [sflag:s22], s20  }
0xa0: {  	s5 =	ssub.s32 $0x0, s20;
	[sflag:s22] =	ssyncset.done $0x0  }
0xa1: {  	[sflag:s22] =	ssyncadd.s32 s5;
	_ =	sdelay $0x1  }
0xa2: {  	s23 =	simm.s32 $0x1B8B  }
0xa3: {  	_ =	swait.ge [sflag:s23], $0x1  }
0xa4: {  	[sflag:s23] =	ssyncset.done $0x0  }
0xa5: {  	s25 =	simm.s32 $0x1B8E;
	s24 =	sld [smem:$0x3FFE];
	[sflag:s23] =	ssyncadd.s32 $0xFFFFFFFF  }
0xa6: {  	s26 =	simm.s32 $execute0_lowered;
	[smem:$0x3FD2] =	sst s25  }
0xa7: {  	s6 =	sshll.u32 s26, $0x1;
	_ =	strace $0x80000046;
	[dreg:$0x1] =	wrdreg $0xFFFFFFFF  }
0xa8: {  	s28 =	simm.s32 $_size_execute0_lowered;
	s4 =	sadd.s32 s4, s6;
	[dreg:$0x0] =	wrdreg $0x0  }
0xa9: {  	s6 =	sshll.u32 s28, $0x1;
	[dreg:$0x2] =	wrdreg s4  }
0xaa: {  	[dreg:$0x3] =	wrdreg s6  }
0xab: {  	[dreg:$0x4] =	wrdreg $0xC0  }
0xac: {  	_ =	task [dreg:s8], $0x5FFFF  }
0xad: {  	[dreg:$0x1] =	wrdreg $0xFFFFFFFF  }
0xae: {  	[dreg:$0x0] =	wrdreg $0x60  }
0xaf: {  	[dreg:$0x2] =	wrdreg s24  }
0xb0: {  	[dreg:$0x3] =	wrdreg s2  }
0xb1: {  	[dreg:$0x4] =	wrdreg s18  }
0xb2: {  	[dreg:$0x5] =	wrdreg $0x9  }
0xb3: {  	_ =	task.clear_ibuf [dreg:s8], $0x6FFFF;
	_ =	strace $0x90000046  }
0xb4: {  	s29 =	simm.s32 $0x9;
	_ =	strace $0x80000048  }
0xb5: {  	_ =	swait.ge [sflag:s29], $0x1  }
0xb6: {  	[sflag:s29] =	ssyncadd.s32 $0xFFFFFFFF  }
0xb7: {  	_ =	strace $0x90000048  }
0xb8: {  	_ =	sfence  }
0xb9: {  	s30 =	sld [smem:$0x0];
	_ =	sdelay $0x2  }
0xba: {  	s31 =	sshll.u32 s1, $0xD;
	s1 =	sshrl.u32 s1, $0x2  }
0xbb: {  	s3 =	sand.u32 $0x4000, s31;
	s1 =	sadd.s32 s1, s30  }
0xbc: {  	s0 =	sor.u32 s3, s0;
	s1 =	sshll.u32 s1, $0x11  }
0xbd: {  	s0 =	sor.u32 s1, s0  }
0xbe: {  	s0 =	sadd.s32 $0x8F2B, s0  }
0xbf: {  	[sflag:s0] =	ssyncadd.remote.s32 $0x1  }
0xc0: {  	_ =	sfence.sel $0xFFFF  }
0xc1: {  	[dreg:$0x0] =	wrdreg $0xFFFFFFFF;
	(pc) =	sbr.abs _section_cstart, $3  }
0xc2: {  	[dreg:$0x1] =	wrdreg $0xFFFFFFFF  }
0xc3: {  	_ =	task.clear_ibuf [dreg:s8], $0x2FFFF;
	_ =	strace $0x9FFFFFFF  }
0xc4: {  	(tm) =	ssettm $0x7FFFFFFF  }
0xc5: {  	_ =	shalt  }
tec
execute0_lowered:
.L_overlay_start_1:
0x0: {  	(tag) =	ssettag $0x1  }
0x1: {  	s1 =	srdreg.scid;
	s0 =	stileid.u32  }
0x2: {  	s18 =	rddreg [dreg:$0x0];
	s20 =	sand.u32 $0x1, s1;
	s31 =	sshll.u32 s0, $0x1  }
0x3: {  	s3 =	rddreg [dreg:$0x1];
	s19 =	sor.u32 s20, s31  }
0x4: {  	s4 =	rddreg [dreg:$0x2];
	s2 =	simm.s32 $0x0;
	s5 =	sshll.u32 s19, $0x4  }
0x5: {  	[smem:$0x7FF] =	sst s2;
	s6 =	sadd.s32 s5, s18  }
0x6: {  	s1 =	rddreg [dreg:$0x3];
	_ =	strace $0x80000047;
	s5 =	sadd.s32 $0xC00, s6  }
0x7: {  	[tilespmem:s2], [sflag:$0x1] =	stream.linear.gather [hbm4b:s5+s2], $0x80, $0x38;
	[tilespmem:$0x400] =	vst v63  }
0x8: {  	s7 =	simm.s32 $0x80;
	s8 =	simm.s32 $0x1;
	s6 =	sadd.s32 $0xE00, s6  }
0x9: {  	[tilespmem:s7], [sflag:$0x2] =	stream.linear.gather [hbm4b:s6+s2], $0x80, $0x38;
	[tilespmem:$0x400] =	vst v63  }
0xa: {  	_ =	swait.ge [sflag:s8], $0x80  }
0xb: {  	[sflag:s8] =	ssyncset.done $0x0  }
0xc: {  	s9 =	simm.s32 $0x2;
	[sflag:s8] =	ssyncadd.s32 $0xFFFFFF80  }
0xd: {  	_ =	swait.ge [sflag:s9], $0x80  }
0xe: {  	[sflag:s9] =	ssyncset.done $0x0  }
0xf: {  	[sflag:s9] =	ssyncadd.s32 $0xFFFFFF80  }
0x10: {  	v0 =	vld [tilespmem:$0x60]  }
0x11: {  	v1 =	vld [tilespmem:$0x50]  }
0x12: {  	v2 =	vld [tilespmem:$0x30]  }
0x13: {  	v3 =	vld [tilespmem:$0x20]  }
0x14: {  	v4 =	vld [tilespmem:$0xD0]  }
0x15: {  	v5 =	vld [tilespmem:$0x10]  }
0x16: {  	v6 =	vld [tilespmem:$0xB0]  }
0x17: {  	v7 =	vld [tilespmem:$0x70]  }
0x18: {  	v8 =	vld [tilespmem:$0xA0]  }
0x19: {  	v10 =	vld [tilespmem:$0x90]  }
0x1a: {  	v9 =	vld [tilespmem:$0xF0]  }
0x1b: {  	v11 =	vld [tilespmem:$0xE0];
	v4 =	vmul.u32 $0x3E8, v4  }
0x1c: {  	v12 =	vld [tilespmem:$0xC0];
	v6 =	vmul.u32 $0x3E8, v6  }
0x1d: {  	v8 =	vmul.u32 $0x3E8, v8;
	v1 =	vadd.s32 v1, v4;
	v4 =	vld [tilespmem:$0x80]  }
0x1e: {  	v49 =	vmul.u32 $0x3E8, v10;
	[tilespmem:$0x150] =	vst v1;
	v1 =	vadd.s32 v2, v6;
	v2 =	vld [tilespmem:$0x40]  }
0x1f: {  	v3 =	vadd.s32 v3, v8;
	v6 =	vmul.u32 $0x3E8, v9;
	[tilespmem:$0x130] =	vst v1;
	v1 =	vld [tilespmem:$0x0]  }
0x20: {  	v5 =	vadd.s32 v5, v49;
	[tilespmem:$0x120] =	vst v3;
	v3 =	vmul.u32 $0x3E8, v11  }
0x21: {  	[tilespmem:$0x110] =	vst v5;
	v6 =	vadd.s32 v7, v6;
	v7 =	vmul.u32 $0x3E8, v12  }
0x22: {  	v0 =	vadd.s32 v0, v3;
	[tilespmem:$0x170] =	vst v6;
	v4 =	vmul.u32 $0x3E8, v4  }
0x23: {  	[tilespmem:$0x160] =	vst v0;
	v2 =	vadd.s32 v2, v7  }
0x24: {  	v0 =	vadd.s32 v1, v4;
	[tilespmem:$0x140] =	vst v2  }
0x25: {  	s11 =	simm.s32 $0x100;
	s12 =	simm.s32 $0x180;
	s10 =	sadd.s32 $0x1000, s18;
	[tilespmem:$0x100] =	vst v0  }
0x26: {  	[tilespmem:s12], [sflag:$0x1] =	stream.indirect.gather [hbm4b:s10+s7], $0x1, s11, s7, $0xb8;
	[tilespmem:$0x400] =	vst v63  }
0x27: {  	s13 =	simm.s32 $0x200  }
0x28: {  	[tilespmem:s13], [sflag:$0x1] =	stream.indirect.gather [hbm4b:s3+s7], $0x1, s2, s7, $0xb8;
	[tilespmem:$0x400] =	vst v63  }
0x29: {  	s15 =	simm.s32 $0x280;
	s14 =	sadd.s32 $0x3E600, s18  }
0x2a: {  	[tilespmem:s15], [sflag:$0x1] =	stream.indirect.gather [hbm4b:s14+s7], $0x1, s2, s7, $0xb8;
	[tilespmem:$0x400] =	vst v63  }
0x2b: {  	_ =	swait.ge [sflag:s8], $0x80  }
0x2c: {  	[sflag:s8] =	ssyncset.done $0x0  }
0x2d: {  	[sflag:s8] =	ssyncadd.s32 $0xFFFFFF80  }
0x2e: {  	_ =	swait.ge [sflag:s8], $0x80  }
0x2f: {  	[sflag:s8] =	ssyncset.done $0x0  }
0x30: {  	[sflag:s8] =	ssyncadd.s32 $0xFFFFFF80  }
0x31: {  	_ =	swait.ge [sflag:s8], $0x80  }
0x32: {  	[sflag:s8] =	ssyncset.done $0x0  }
0x33: {  	[sflag:s8] =	ssyncadd.s32 $0xFFFFFF80  }
0x34: {  	v0 =	vld [tilespmem:$0x180];
	_ =	sdelay $0x1  }
0x35: {  	v1 =	vld [tilespmem:$0x200];
	_ =	sdelay $0x1  }
0x36: {  	v2 =	vld [tilespmem:$0x280]  }
0x37: {  	v0 =	vadd.f32 $0.0e+00, v0  }
0x38: {  	v3 =	vld [tilespmem:$0x190]  }
0x39: {  	v0 =	vadd.f32 v1, v0  }
0x3a: {  	v1 =	vld [tilespmem:$0x210]  }
0x3b: {  	v0 =	vsub.f32 v0, v2  }
0x3c: {  	v2 =	vld [tilespmem:$0x290]  }
0x3d: {  	v0 =	vadd.f32 v3, v0  }
0x3e: {  	v3 =	vld [tilespmem:$0x1A0]  }
0x3f: {  	v0 =	vadd.f32 v1, v0  }
0x40: {  	v1 =	vld [tilespmem:$0x220]  }
0x41: {  	v4 =	vld [tilespmem:$0x1B0];
	v0 =	vsub.f32 v0, v2  }
0x42: {  	v2 =	vld [tilespmem:$0x2A0]  }
0x43: {  	v5 =	vld [tilespmem:$0x230];
	v0 =	vadd.f32 v3, v0  }
0x44: {  	v6 =	vld [tilespmem:$0x2B0]  }
0x45: {  	v7 =	vld [tilespmem:$0x1C0];
	v0 =	vadd.f32 v1, v0  }
0x46: {  	v50 =	vld [tilespmem:$0x240]  }
0x47: {  	v51 =	vld [tilespmem:$0x2C0];
	v0 =	vsub.f32 v0, v2  }
0x48: {  	v52 =	vld [tilespmem:$0x1D0]  }
0x49: {  	v53 =	vld [tilespmem:$0x60];
	v0 =	vadd.f32 v4, v0  }
0x4a: {  	v54 =	vld [tilespmem:$0x250]  }
0x4b: {  	v55 =	vld [tilespmem:$0xB0];
	v0 =	vadd.f32 v5, v0  }
0x4c: {  	v56 =	vld [tilespmem:$0x2D0]  }
0x4d: {  	v57 =	vld [tilespmem:$0x50];
	v0 =	vsub.f32 v0, v6  }
0x4e: {  	v13 =	vld [tilespmem:$0x1E0]  }
0x4f: {  	v58 =	vld [tilespmem:$0x40];
	v0 =	vadd.f32 v7, v0  }
0x50: {  	v14 =	vld [tilespmem:$0x260]  }
0x51: {  	v59 =	vld [tilespmem:$0x30];
	v0 =	vadd.f32 v50, v0  }
0x52: {  	v15 =	vld [tilespmem:$0x2E0]  }
0x53: {  	v60 =	vld [tilespmem:$0x20];
	v0 =	vsub.f32 v0, v51  }
0x54: {  	v16 =	vld [tilespmem:$0x1F0]  }
0x55: {  	v61 =	vld [tilespmem:$0x10];
	v0 =	vadd.f32 v52, v0  }
0x56: {  	v2 =	vld [tilespmem:$0x70]  }
0x57: {  	v17 =	vld [tilespmem:$0x270];
	v0 =	vadd.f32 v54, v0  }
0x58: {  	v1 =	vld [tilespmem:$0xF0]  }
0x59: {  	v7 =	vld [tilespmem:$0xE0];
	v0 =	vsub.f32 v0, v56  }
0x5a: {  	v6 =	vld [tilespmem:$0xD0]  }
0x5b: {  	v62 =	vld [tilespmem:$0x0];
	v2 =	vmul.u32 $0x3E8, v2;
	v0 =	vadd.f32 v13, v0  }
0x5c: {  	v63 =	vld [tilespmem:$0x2F0];
	v8 =	vmul.u32 $0x3E8, v53  }
0x5d: {  	v5 =	vld [tilespmem:$0xA0];
	v1 =	vadd.s32 v1, v2;
	v2 =	vmul.u32 $0x3E8, v57;
	v0 =	vadd.f32 v14, v0  }
0x5e: {  	v4 =	vld [tilespmem:$0xC0];
	[tilespmem:$0x170] =	vst v1;
	v1 =	vadd.s32 v7, v8;
	v7 =	vmul.u32 $0x3E8, v59  }
0x5f: {  	v3 =	vld [tilespmem:$0x90];
	[tilespmem:$0x160] =	vst v1;
	v1 =	vadd.s32 v6, v2;
	v0 =	vsub.f32 v0, v15  }
0x60: {  	v2 =	vmul.u32 $0x3E8, v60;
	[tilespmem:$0x150] =	vst v1;
	v1 =	vadd.s32 v55, v7;
	v7 =	vld [tilespmem:$0x80]  }
0x61: {  	v6 =	vmul.u32 $0x3E8, v58;
	v0 =	vadd.f32 v16, v0  }
0x62: {  	[tilespmem:$0x130] =	vst v1;
	v1 =	vmul.u32 $0x3E8, v61;
	v2 =	vadd.s32 v5, v2  }
0x63: {  	[tilespmem:$0x120] =	vst v2;
	v2 =	vadd.s32 v4, v6;
	v4 =	vmul.u32 $0x3E8, v62;
	v0 =	vadd.f32 v17, v0  }
0x64: {  	v1 =	vadd.s32 v3, v1;
	[tilespmem:$0x140] =	vst v2  }
0x65: {  	[tilespmem:$0x110] =	vst v1;
	v1 =	vadd.s32 v7, v4;
	v0 =	vsub.f32 v0, v63  }
0x66: {  	[tilespmem:$0x100] =	vst v1  }
0x67: {  	s16 =	sadd.s32 $0x1FA00, s18;
	[tilespmem:$0x300] =	vst v0  }
0x68: {  	[tilespmem:s12], [sflag:$0x1] =	stream.indirect.gather [hbm4b:s16+s7], $0x1, s11, s7, $0xb8;
	[tilespmem:$0x400] =	vst v63  }
0x69: {  	_ = 	snop  }
0x6a: {  	[tilespmem:s13], [sflag:$0x1] =	stream.indirect.gather [hbm4b:s4+s7], $0x1, s7, s7, $0xb8;
	[tilespmem:$0x400] =	vst v63  }
0x6b: {  	s17 =	sadd.s32 $0x3E400, s18  }
0x6c: {  	[tilespmem:s15], [sflag:$0x1] =	stream.indirect.gather [hbm4b:s17+s7], $0x1, s7, s7, $0xb8;
	[tilespmem:$0x400] =	vst v63  }
0x6d: {  	_ =	swait.ge [sflag:s8], $0x80  }
0x6e: {  	[sflag:s8] =	ssyncset.done $0x0  }
0x6f: {  	[sflag:s8] =	ssyncadd.s32 $0xFFFFFF80  }
0x70: {  	_ =	swait.ge [sflag:s8], $0x80  }
0x71: {  	[sflag:s8] =	ssyncset.done $0x0  }
0x72: {  	[sflag:s8] =	ssyncadd.s32 $0xFFFFFF80  }
0x73: {  	_ =	swait.ge [sflag:s8], $0x80  }
0x74: {  	[sflag:s8] =	ssyncset.done $0x0  }
0x75: {  	[sflag:s8] =	ssyncadd.s32 $0xFFFFFF80  }
0x76: {  	v0 =	vld [tilespmem:$0x180];
	_ =	sdelay $0x1  }
0x77: {  	v1 =	vld [tilespmem:$0x200];
	_ =	sdelay $0x1  }
0x78: {  	v2 =	vld [tilespmem:$0x280]  }
0x79: {  	v0 =	vadd.f32 $0.0e+00, v0  }
0x7a: {  	v3 =	vld [tilespmem:$0x190]  }
0x7b: {  	v0 =	vadd.f32 v1, v0  }
0x7c: {  	v1 =	vld [tilespmem:$0x210]  }
0x7d: {  	v0 =	vsub.f32 v0, v2  }
0x7e: {  	v2 =	vld [tilespmem:$0x290]  }
0x7f: {  	v0 =	vadd.f32 v3, v0  }
0x80: {  	v3 =	vld [tilespmem:$0x1A0]  }
0x81: {  	v0 =	vadd.f32 v1, v0  }
0x82: {  	v1 =	vld [tilespmem:$0x220]  }
0x83: {  	v0 =	vsub.f32 v0, v2  }
0x84: {  	v2 =	vld [tilespmem:$0x2A0]  }
0x85: {  	v0 =	vadd.f32 v3, v0  }
0x86: {  	v3 =	vld [tilespmem:$0x1B0]  }
0x87: {  	v0 =	vadd.f32 v1, v0  }
0x88: {  	v1 =	vld [tilespmem:$0x230]  }
0x89: {  	v0 =	vsub.f32 v0, v2  }
0x8a: {  	v2 =	vld [tilespmem:$0x2B0]  }
0x8b: {  	v0 =	vadd.f32 v3, v0  }
0x8c: {  	v3 =	vld [tilespmem:$0x1C0]  }
0x8d: {  	v0 =	vadd.f32 v1, v0  }
0x8e: {  	v1 =	vld [tilespmem:$0x240]  }
0x8f: {  	v0 =	vsub.f32 v0, v2  }
0x90: {  	v2 =	vld [tilespmem:$0x2C0]  }
0x91: {  	v0 =	vadd.f32 v3, v0  }
0x92: {  	v3 =	vld [tilespmem:$0x1D0]  }
0x93: {  	v0 =	vadd.f32 v1, v0  }
0x94: {  	s20 =	ssub.s32 $0x2, s20;
	v1 =	vld [tilespmem:$0x250]  }
0x95: {  	s21 =	sshrl.u32 s20, $0x1;
	v0 =	vsub.f32 v0, v2  }
0x96: {  	s20 =	ssub.s32 s20, s21;
	v2 =	vld [tilespmem:$0x2D0]  }
0x97: {  	s21 =	smax.u32 s20, $0x1;
	v0 =	vadd.f32 v3, v0  }
0x98: {  	p0 =	sne.s32 s21, $0x1;
	v3 =	vld [tilespmem:$0x1E0]  }
.Ltmp0:
0x99: {  	v4 =	vadd.f32 v1, v0;
	(pc) =	sbr.rel @!p0 .LBB2_2-.Ltmp0, $4  }
0x9a: {  	v1 =	vld [tilespmem:$0x260]  }
0x9b: {  	s19 =	sshll.u32 s19, $0x5;
	v0 =	vld [tilespmem:$0x270];
	v4 =	vsub.f32 v4, v2  }
0x9c: {  	s18 =	sadd.s32 s19, s18;
	s19 =	simm.s32 $0x3;
	v2 =	vld [tilespmem:$0x2E0]  }
0x9d: {  	s18 =	sadd.s32 $0x3E800, s18;
	s20 =	simm.s32 $0x300;
	s21 =	sadd.s32 $0xFFFFFFFF, s21;
	v4 =	vadd.f32 v3, v4;
	v3 =	vld [tilespmem:$0x1F0]  }
.LBB2_1:
0x9e: {  	_ = 	snop  }
0x9f: {  	p0 =	sne.s32 s21, $0x1;
	s21 =	sadd.s32 $0xFFFFFFFF, s21;
	v1 =	vadd.f32 v1, v4;
	_ =	sdelay $0x1  }
0xa0: {  	v1 =	vsub.f32 v1, v2;
	v2 =	vld [tilespmem:$0x2F0];
	_ =	sdelay $0x1  }
0xa1: {  	v1 =	vadd.f32 v3, v1;
	_ =	sdelay $0x1  }
0xa2: {  	v0 =	vadd.f32 v0, v1;
	_ =	sdelay $0x1  }
0xa3: {  	v0 =	vsub.f32 v0, v2;
	_ =	sdelay $0x1  }
0xa4: {  	[tilespmem:$0x380] =	vst v0  }
0xa5: {  	[hbm4b:s18+s2] =	stream.linear.scatter [tilespmem:s20], [sflag:$0x3], $0x100, $0x38;
	[tilespmem:$0x400] =	vst v63  }
0xa6: {  	_ =	swait.ge [sflag:s19], $0x100  }
0xa7: {  	[sflag:s19] =	ssyncset.done $0x0  }
0xa8: {  	[sflag:s19] =	ssyncadd.s32 $0xFFFFFF00  }
0xa9: {  	[tilespmem:s2], [sflag:$0x1] =	stream.linear.gather [hbm4b:s5+s2], $0x80, $0x38;
	[tilespmem:$0x400] =	vst v63  }
0xaa: {  	_ = 	snop  }
0xab: {  	[tilespmem:s7], [sflag:$0x2] =	stream.linear.gather [hbm4b:s6+s2], $0x80, $0x38;
	[tilespmem:$0x400] =	vst v63  }
0xac: {  	_ =	swait.ge [sflag:s8], $0x80  }
0xad: {  	[sflag:s8] =	ssyncset.done $0x0  }
0xae: {  	[sflag:s8] =	ssyncadd.s32 $0xFFFFFF80  }
0xaf: {  	_ =	swait.ge [sflag:s9], $0x80  }
0xb0: {  	[sflag:s9] =	ssyncset.done $0x0  }
0xb1: {  	[sflag:s9] =	ssyncadd.s32 $0xFFFFFF80  }
0xb2: {  	v0 =	vld [tilespmem:$0x60]  }
0xb3: {  	v1 =	vld [tilespmem:$0x50]  }
0xb4: {  	v2 =	vld [tilespmem:$0x30]  }
0xb5: {  	v3 =	vld [tilespmem:$0x20]  }
0xb6: {  	v4 =	vld [tilespmem:$0xD0]  }
0xb7: {  	v5 =	vld [tilespmem:$0x10]  }
0xb8: {  	v6 =	vld [tilespmem:$0xB0]  }
0xb9: {  	v7 =	vld [tilespmem:$0x70]  }
0xba: {  	v8 =	vld [tilespmem:$0xA0]  }
0xbb: {  	v4 =	vmul.u32 $0x3E8, v4;
	v9 =	vld [tilespmem:$0xF0]  }
0xbc: {  	v10 =	vld [tilespmem:$0x90]  }
0xbd: {  	v6 =	vmul.u32 $0x3E8, v6;
	v1 =	vadd.s32 v1, v4;
	v4 =	vld [tilespmem:$0xE0]  }
0xbe: {  	v11 =	vld [tilespmem:$0xC0];
	[tilespmem:$0x150] =	vst v1  }
0xbf: {  	v1 =	vld [tilespmem:$0x80];
	v8 =	vmul.u32 $0x3E8, v8;
	v2 =	vadd.s32 v2, v6  }
0xc0: {  	[tilespmem:$0x130] =	vst v2;
	v2 =	vld [tilespmem:$0x40];
	v6 =	vmul.u32 $0x3E8, v9  }
0xc1: {  	v9 =	vld [tilespmem:$0x0];
	v10 =	vmul.u32 $0x3E8, v10;
	v3 =	vadd.s32 v3, v8  }
0xc2: {  	[tilespmem:$0x120] =	vst v3;
	v3 =	vmul.u32 $0x3E8, v4;
	v4 =	vadd.s32 v7, v6  }
0xc3: {  	v5 =	vadd.s32 v5, v10;
	v6 =	vmul.u32 $0x3E8, v11;
	[tilespmem:$0x170] =	vst v4  }
0xc4: {  	v1 =	vmul.u32 $0x3E8, v1;
	[tilespmem:$0x110] =	vst v5;
	v0 =	vadd.s32 v0, v3  }
0xc5: {  	v2 =	vadd.s32 v2, v6;
	[tilespmem:$0x160] =	vst v0  }
0xc6: {  	v0 =	vadd.s32 v9, v1;
	[tilespmem:$0x140] =	vst v2  }
0xc7: {  	[tilespmem:$0x100] =	vst v0  }
0xc8: {  	[tilespmem:s12], [sflag:$0x1] =	stream.indirect.gather [hbm4b:s10+s7], $0x1, s11, s7, $0xb8;
	[tilespmem:$0x400] =	vst v63  }
0xc9: {  	_ = 	snop  }
0xca: {  	[tilespmem:s13], [sflag:$0x1] =	stream.indirect.gather [hbm4b:s3+s7], $0x1, s2, s7, $0xb8;
	[tilespmem:$0x400] =	vst v63  }
0xcb: {  	_ = 	snop  }
0xcc: {  	[tilespmem:s15], [sflag:$0x1] =	stream.indirect.gather [hbm4b:s14+s7], $0x1, s2, s7, $0xb8;
	[tilespmem:$0x400] =	vst v63  }
0xcd: {  	_ =	swait.ge [sflag:s8], $0x80  }
0xce: {  	[sflag:s8] =	ssyncset.done $0x0  }
0xcf: {  	[sflag:s8] =	ssyncadd.s32 $0xFFFFFF80  }
0xd0: {  	_ =	swait.ge [sflag:s8], $0x80  }
0xd1: {  	[sflag:s8] =	ssyncset.done $0x0  }
0xd2: {  	[sflag:s8] =	ssyncadd.s32 $0xFFFFFF80  }
0xd3: {  	_ =	swait.ge [sflag:s8], $0x80  }
0xd4: {  	[sflag:s8] =	ssyncset.done $0x0  }
0xd5: {  	[sflag:s8] =	ssyncadd.s32 $0xFFFFFF80  }
0xd6: {  	v0 =	vld [tilespmem:$0x180];
	_ =	sdelay $0x1  }
0xd7: {  	v1 =	vld [tilespmem:$0x200];
	_ =	sdelay $0x1  }
0xd8: {  	v2 =	vld [tilespmem:$0x280]  }
0xd9: {  	v0 =	vadd.f32 $0.0e+00, v0  }
0xda: {  	v3 =	vld [tilespmem:$0x190]  }
0xdb: {  	v0 =	vadd.f32 v1, v0  }
0xdc: {  	v1 =	vld [tilespmem:$0x210]  }
0xdd: {  	v0 =	vsub.f32 v0, v2  }
0xde: {  	v2 =	vld [tilespmem:$0x290]  }
0xdf: {  	v0 =	vadd.f32 v3, v0  }
0xe0: {  	v3 =	vld [tilespmem:$0x1A0]  }
0xe1: {  	v0 =	vadd.f32 v1, v0  }
0xe2: {  	v1 =	vld [tilespmem:$0x220]  }
0xe3: {  	v0 =	vsub.f32 v0, v2  }
0xe4: {  	v2 =	vld [tilespmem:$0x2A0]  }
0xe5: {  	v0 =	vadd.f32 v3, v0;
	v3 =	vld [tilespmem:$0x90]  }
0xe6: {  	v4 =	vld [tilespmem:$0x1B0]  }
0xe7: {  	v0 =	vadd.f32 v1, v0;
	v1 =	vld [tilespmem:$0xF0]  }
0xe8: {  	v5 =	vld [tilespmem:$0x230]  }
0xe9: {  	v0 =	vsub.f32 v0, v2;
	v2 =	vld [tilespmem:$0x70]  }
0xea: {  	v6 =	vld [tilespmem:$0x2B0]  }
0xeb: {  	v0 =	vadd.f32 v4, v0;
	v4 =	vld [tilespmem:$0xC0]  }
0xec: {  	v7 =	vld [tilespmem:$0x1C0]  }
0xed: {  	v0 =	vadd.f32 v5, v0;
	v5 =	vld [tilespmem:$0xA0]  }
0xee: {  	v8 =	vld [tilespmem:$0x240];
	v2 =	vmul.u32 $0x3E8, v2  }
0xef: {  	v0 =	vsub.f32 v0, v6;
	v6 =	vld [tilespmem:$0xD0]  }
0xf0: {  	v9 =	vld [tilespmem:$0x2C0];
	v1 =	vadd.s32 v1, v2  }
0xf1: {  	v0 =	vadd.f32 v7, v0;
	v2 =	vld [tilespmem:$0xE0];
	[tilespmem:$0x170] =	vst v1  }
0xf2: {  	v1 =	vld [tilespmem:$0x1D0]  }
0xf3: {  	v0 =	vadd.f32 v8, v0;
	v7 =	vld [tilespmem:$0x60]  }
0xf4: {  	v8 =	vld [tilespmem:$0x250]  }
0xf5: {  	v0 =	vsub.f32 v0, v9;
	v9 =	vld [tilespmem:$0xB0]  }
0xf6: {  	v10 =	vld [tilespmem:$0x2D0]  }
0xf7: {  	v0 =	vadd.f32 v1, v0;
	v1 =	vld [tilespmem:$0x50]  }
0xf8: {  	v11 =	vld [tilespmem:$0x1E0];
	v7 =	vmul.u32 $0x3E8, v7  }
0xf9: {  	v0 =	vadd.f32 v8, v0;
	v8 =	vld [tilespmem:$0x40]  }
0xfa: {  	v12 =	vld [tilespmem:$0x260];
	v2 =	vadd.s32 v2, v7  }
0xfb: {  	v0 =	vsub.f32 v0, v10;
	v7 =	vld [tilespmem:$0x30];
	[tilespmem:$0x160] =	vst v2  }
0xfc: {  	v2 =	vld [tilespmem:$0x2E0];
	v1 =	vmul.u32 $0x3E8, v1  }
0xfd: {  	v0 =	vadd.f32 v11, v0;
	v10 =	vld [tilespmem:$0x20]  }
0xfe: {  	v11 =	vld [tilespmem:$0x1F0];
	v8 =	vmul.u32 $0x3E8, v8;
	v1 =	vadd.s32 v6, v1  }
0xff: {  	v0 =	vadd.f32 v12, v0;
	v6 =	vld [tilespmem:$0x10];
	[tilespmem:$0x150] =	vst v1  }
0x100: {  	v1 =	vld [tilespmem:$0x270];
	v7 =	vmul.u32 $0x3E8, v7  }
0x101: {  	v0 =	vsub.f32 v0, v2;
	v2 =	vld [tilespmem:$0x0]  }
0x102: {  	v12 =	vld [tilespmem:$0x2F0];
	v10 =	vmul.u32 $0x3E8, v10;
	v7 =	vadd.s32 v9, v7  }
0x103: {  	v0 =	vadd.f32 v11, v0;
	v9 =	vld [tilespmem:$0x80];
	[tilespmem:$0x130] =	vst v7  }
0x104: {  	v6 =	vmul.u32 $0x3E8, v6;
	v5 =	vadd.s32 v5, v10  }
0x105: {  	v0 =	vadd.f32 v1, v0;
	[tilespmem:$0x120] =	vst v5  }
0x106: {  	v1 =	vmul.u32 $0x3E8, v2;
	v2 =	vadd.s32 v4, v8  }
0x107: {  	v3 =	vadd.s32 v3, v6;
	v0 =	vsub.f32 v0, v12;
	[tilespmem:$0x140] =	vst v2  }
0x108: {  	v1 =	vadd.s32 v9, v1;
	[tilespmem:$0x110] =	vst v3  }
0x109: {  	[tilespmem:$0x300] =	vst v0  }
0x10a: {  	[tilespmem:$0x100] =	vst v1  }
0x10b: {  	[tilespmem:s12], [sflag:$0x1] =	stream.indirect.gather [hbm4b:s16+s7], $0x1, s11, s7, $0xb8;
	[tilespmem:$0x400] =	vst v63  }
0x10c: {  	_ = 	snop  }
0x10d: {  	[tilespmem:s13], [sflag:$0x1] =	stream.indirect.gather [hbm4b:s4+s7], $0x1, s7, s7, $0xb8;
	[tilespmem:$0x400] =	vst v63  }
0x10e: {  	_ = 	snop  }
0x10f: {  	[tilespmem:s15], [sflag:$0x1] =	stream.indirect.gather [hbm4b:s17+s7], $0x1, s7, s7, $0xb8;
	[tilespmem:$0x400] =	vst v63  }
0x110: {  	_ =	swait.ge [sflag:s8], $0x80  }
0x111: {  	[sflag:s8] =	ssyncset.done $0x0  }
0x112: {  	[sflag:s8] =	ssyncadd.s32 $0xFFFFFF80  }
0x113: {  	_ =	swait.ge [sflag:s8], $0x80  }
0x114: {  	[sflag:s8] =	ssyncset.done $0x0  }
0x115: {  	[sflag:s8] =	ssyncadd.s32 $0xFFFFFF80  }
0x116: {  	_ =	swait.ge [sflag:s8], $0x80  }
0x117: {  	[sflag:s8] =	ssyncset.done $0x0  }
0x118: {  	[sflag:s8] =	ssyncadd.s32 $0xFFFFFF80  }
0x119: {  	v1 =	vld [tilespmem:$0x180]  }
0x11a: {  	v2 =	vld [tilespmem:$0x200]  }
0x11b: {  	v0 =	vld [tilespmem:$0x270]  }
0x11c: {  	v3 =	vld [tilespmem:$0x280];
	_ =	sdelay $0x1  }
0x11d: {  	v1 =	vadd.f32 $0.0e+00, v1;
	v4 =	vld [tilespmem:$0x190];
	_ =	sdelay $0x1  }
0x11e: {  	v1 =	vadd.f32 v2, v1;
	v2 =	vld [tilespmem:$0x210];
	_ =	sdelay $0x1  }
0x11f: {  	v1 =	vsub.f32 v1, v3;
	v3 =	vld [tilespmem:$0x290];
	_ =	sdelay $0x1  }
0x120: {  	v1 =	vadd.f32 v4, v1;
	v4 =	vld [tilespmem:$0x1A0];
	_ =	sdelay $0x1  }
0x121: {  	v1 =	vadd.f32 v2, v1;
	v2 =	vld [tilespmem:$0x220];
	_ =	sdelay $0x1  }
0x122: {  	v1 =	vsub.f32 v1, v3;
	v3 =	vld [tilespmem:$0x2A0];
	_ =	sdelay $0x1  }
0x123: {  	v1 =	vadd.f32 v4, v1;
	v4 =	vld [tilespmem:$0x1B0];
	_ =	sdelay $0x1  }
0x124: {  	v1 =	vadd.f32 v2, v1;
	v2 =	vld [tilespmem:$0x230];
	_ =	sdelay $0x1  }
0x125: {  	v1 =	vsub.f32 v1, v3;
	v3 =	vld [tilespmem:$0x2B0];
	_ =	sdelay $0x1  }
0x126: {  	v1 =	vadd.f32 v4, v1;
	v4 =	vld [tilespmem:$0x1C0];
	_ =	sdelay $0x1  }
0x127: {  	v1 =	vadd.f32 v2, v1;
	v2 =	vld [tilespmem:$0x240];
	_ =	sdelay $0x1  }
0x128: {  	v1 =	vsub.f32 v1, v3;
	v3 =	vld [tilespmem:$0x2C0];
	_ =	sdelay $0x1  }
0x129: {  	v1 =	vadd.f32 v4, v1;
	v4 =	vld [tilespmem:$0x1D0];
	_ =	sdelay $0x1  }
0x12a: {  	v1 =	vadd.f32 v2, v1;
	v2 =	vld [tilespmem:$0x250];
	_ =	sdelay $0x1  }
0x12b: {  	v1 =	vsub.f32 v1, v3;
	v3 =	vld [tilespmem:$0x2D0];
	_ =	sdelay $0x1  }
0x12c: {  	v1 =	vadd.f32 v4, v1;
	v4 =	vld [tilespmem:$0x1E0];
	_ =	sdelay $0x1  }
.Ltmp1:
0x12d: {  	v2 =	vadd.f32 v2, v1;
	v1 =	vld [tilespmem:$0x260];
	(pc) =	sbr.rel @p0 .LBB2_1-.Ltmp1, $3  }
0x12e: {  	_ = 	snop  }
0x12f: {  	v3 =	vsub.f32 v2, v3;
	v2 =	vld [tilespmem:$0x2E0];
	_ =	sdelay $0x1  }
0x130: {  	v4 =	vadd.f32 v4, v3;
	v3 =	vld [tilespmem:$0x1F0]  }
.LBB2_2:
0x131: {  	_ = 	snop  }
0x132: {  	v1 =	vadd.f32 v1, v4;
	_ =	sdelay $0x1  }
0x133: {  	v1 =	vsub.f32 v1, v2  }
0x134: {  	v63 =	vld [tilespmem:$0x2F0]  }
0x135: {  	v1 =	vadd.f32 v3, v1;
	_ =	sdelay $0x1  }
0x136: {  	v0 =	vadd.f32 v0, v1;
	_ =	sdelay $0x1  }
0x137: {  	v0 =	vsub.f32 v0, v63;
	_ =	sdelay $0x1  }
0x138: {  	[tilespmem:$0x380] =	vst v0  }
0x139: {  	[hbm4b:s18+s2] =	stream.linear.scatter [tilespmem:s20], [sflag:$0x3], $0x100, $0x38;
	[tilespmem:$0x400] =	vst v63  }
0x13a: {  	_ =	swait.ge [sflag:s19], $0x100  }
0x13b: {  	[sflag:s19] =	ssyncset.done $0x0  }
0x13c: {  	[sflag:s19] =	ssyncadd.s32 $0xFFFFFF00  }
0x13d: {  	_ =	sfence.sel $0x180000  }
0x13e: {  	[bflag:$0x0] =	sbarrier.arrive $0xFFFF  }
0x13f: {  	p0 =	sne.s32 s0, $0x0;
	_ =	strace $0x90000047  }
0x140: {  	s0 =	sadd.s32 @!p0 $0x100000, s1;
	[bflag:$0x2] =	sbarrier.arrive $0xFFFF  }
0x141: {  	[sflag:s0] =	ssyncadd.tile.s32 @!p0 $0x1;
	_ =	shalt  }
.Lfunc_end2:
_tile_overlayer_lowered:
.L_overlay_start_2:
0x142: {  	(tag) =	ssettag $0x2  }
0x143: {  	s0 =	rddreg [dreg:$0x0];
	s2 =	stileid.u32  }
0x144: {  	s1 =	rddreg [dreg:$0x1];
	p0 =	sne.s32 s2, $0x0  }
0x145: {  	s3 =	rddreg [dreg:$0x2];
	[bflag:$0x3] =	sbarrier.arrive $0xFFFF;
	s2 =	simm.s32 @!p0 $0x1C03  }
0x146: {  	[timem:s3], [sflag:s2] =	dma.local @!p0 [hbm:s0], s1  }
0x147: {  	s0 =	simm.s32 @!p0 $0x3  }
0x148: {  	_ =	swait.ge @!p0 [sflag:s0], s1  }
0x149: {  	s1 =	ssub.s32 @!p0 $0x0, s1;
	[sflag:s0] =	ssyncset.done @!p0 $0x0  }
0x14a: {  	[sflag:s0] =	ssyncadd.s32 @!p0 s1  }
0x14b: {  	[bflag:$0x3] =	sbarrier.arrive $0xFFFF  }
0x14c: {  	_ =	shalt  }

</sc_bundles>
